<compile_context>
chip_gen: v7x
topology: tpu7x:2x2x1
jax: 0.10.2.dev20260603
libtpu: 0.0.44.dev20260713+nightly
codegen_flags: <defaults>
</compile_context>

<pallas_src>
import functools

import jax
import jax.numpy as jnp
from jax import lax
from jax.experimental import pallas as pl
from jax.experimental.pallas import tpu as pltpu
from jax.experimental.pallas import tpu_sc as plsc

N = 2048
K = 19
NC = 2
NS = 16
L = 16
NW = NC * NS
ROWS_PER_W = N // NW
NGROUPS = ROWS_PER_W // L
NSEG = N // L
SEG_PER_BLK = 8
NBLK = NSEG // SEG_PER_BLK
BR = 256


def _splat_f(v):
    return jnp.full((L,), v, jnp.float32)


def _splat_i(v):
    return jnp.full((L,), v, jnp.int32)


def _d2_tc(pxr, pyr, pzr, pxc, pyc, pzc, cellb):

    def body(c_ref, pxr_ref, pyr_ref, pzr_ref, pxc_ref, pyc_ref, pzc_ref,
             o_ref):
        i = pl.program_id(0)

        def wrap(d):
            adj = jnp.where(jnp.abs(d) > 0.5, jnp.sign(d), 0.0)
            return d - adj

        def bf(d):
            bits = lax.bitcast_convert_type(d, jnp.int32)
            r = bits + (jnp.int32(0x7FFF) + ((bits >> 16) & 1))
            return lax.bitcast_convert_type(r & jnp.int32(-65536), jnp.float32)

        dx = bf(wrap(pxr_ref[...] - pxc_ref[...]))
        dy = bf(wrap(pyr_ref[...] - pyc_ref[...]))
        dz = bf(wrap(pzr_ref[...] - pzc_ref[...]))
        cx = dx * c_ref[0, 0] + dy * c_ref[1, 0] + dz * c_ref[2, 0]
        cy = dx * c_ref[0, 1] + dy * c_ref[1, 1] + dz * c_ref[2, 1]
        cz = dx * c_ref[0, 2] + dy * c_ref[1, 2] + dz * c_ref[2, 2]
        d2 = cx * cx + cy * cy + cz * cz
        rid = i * BR + lax.broadcasted_iota(jnp.int32, (BR, N), 0)
        cid = lax.broadcasted_iota(jnp.int32, (BR, N), 1)
        o_ref[...] = jnp.where(rid == cid, jnp.inf, d2)

    return pl.pallas_call(
        body,
        grid=(N // BR,),
        in_specs=[
            pl.BlockSpec(memory_space=pltpu.SMEM),
            pl.BlockSpec((BR, 1), lambda i: (i, 0)),
            pl.BlockSpec((BR, 1), lambda i: (i, 0)),
            pl.BlockSpec((BR, 1), lambda i: (i, 0)),
            pl.BlockSpec((1, N), lambda i: (0, 0)),
            pl.BlockSpec((1, N), lambda i: (0, 0)),
            pl.BlockSpec((1, N), lambda i: (0, 0)),
        ],
        out_specs=pl.BlockSpec((BR, N), lambda i: (i, 0)),
        out_shape=jax.ShapeDtypeStruct((N, N), jnp.float32),
    )(cellb, pxr, pyr, pzr, pxc, pyc, pzc)


def _knn_sc(d2m, px, py, pz, cellv):
    mesh = plsc.VectorSubcoreMesh(
        core_axis_name="c", subcore_axis_name="s", num_cores=NC, num_subcores=NS
    )

    @functools.partial(
        pl.kernel,
        out_type=(
            jax.ShapeDtypeStruct((N, K), jnp.int32),
            jax.ShapeDtypeStruct((N, K), jnp.float32),
            jax.ShapeDtypeStruct((N, 3 * K), jnp.float32),
        ),
        mesh=mesh,
        compiler_params=pltpu.CompilerParams(needs_layout_passes=False),
        scratch_types=[
            pltpu.VMEM((N,), jnp.float32),
            pltpu.VMEM((N,), jnp.float32),
            pltpu.VMEM((N,), jnp.float32),
            pltpu.VMEM((L,), jnp.float32),
            pltpu.VMEM((L, N), jnp.float32),
            pltpu.VMEM((NSEG * L,), jnp.float32),
            pltpu.VMEM((NBLK * L,), jnp.float32),
            pltpu.VMEM((L, K), jnp.int32),
            pltpu.VMEM((L, K), jnp.float32),
            pltpu.VMEM((L, 3 * K), jnp.float32),
        ],
    )
    def knn_kernel(d2_h, px_h, py_h, pz_h, cell_h, oidx_h, odist_h, ovec_h,
                   px_v, py_v, pz_v, cell_v, buf, segmin, blkmin,
                   idx_st, dist_st, vec_st):
        wid = lax.axis_index("s") * NC + lax.axis_index("c")
        pltpu.sync_copy(px_h, px_v)
        pltpu.sync_copy(py_h, py_v)
        pltpu.sync_copy(pz_h, pz_v)
        pltpu.sync_copy(cell_h, cell_v)

        lanes = lax.iota(jnp.int32, L)
        half = _splat_f(0.5)
        zero = _splat_f(0.0)
        inf = _splat_f(jnp.inf)

        def bget(e):
            return plsc.load_gather(cell_v, [_splat_i(e + 1)])

        c00, c01, c02 = bget(0), bget(1), bget(2)
        c10, c11, c12 = bget(3), bget(4), bget(5)
        c20, c21, c22 = bget(6), bget(7), bget(8)

        def wrap(d):
            adj = jnp.where(jnp.abs(d) > half, jnp.sign(d), zero)
            return d - adj

        def bf16r(x):
            bits = plsc.bitcast(x, jnp.int32)
            r = bits + (jnp.int32(0x7FFF) + ((bits >> 16) & 1))
            return plsc.bitcast(r & jnp.int32(-65536), jnp.float32)

        def cart_of(dx, dy, dz):
            dx, dy, dz = bf16r(dx), bf16r(dy), bf16r(dz)
            cx = dx * c00 + dy * c10 + dz * c20
            cy = dx * c01 + dy * c11 + dz * c21
            cz = dx * c02 + dy * c12 + dz * c22
            return cx, cy, cz

        def group_body(g, _):
            row0 = wid * ROWS_PER_W + g * L
            rx = px_v[pl.ds(row0, L)]
            ry = py_v[pl.ds(row0, L)]
            rz = pz_v[pl.ds(row0, L)]

            pltpu.sync_copy(d2_h.at[pl.ds(row0, L)], buf)

            def seg_body(s, _):
                sm = inf
                for t in range(L):
                    v = plsc.load_gather(buf, [lanes, _splat_i(0) + (s * L + t)])
                    sm = jnp.minimum(sm, v)
                segmin[pl.ds(s * L, L)] = sm
                return _
            lax.fori_loop(0, NSEG, seg_body, None, unroll=False)

            def blk_body(b, _):
                bm = inf
                for u in range(SEG_PER_BLK):
                    bm = jnp.minimum(bm, segmin[pl.ds((b * SEG_PER_BLK + u) * L, L)])
                blkmin[pl.ds(b * L, L)] = bm
                return _
            lax.fori_loop(0, NBLK, blk_body, None, unroll=False)

            def rank_body(kk, _):
                chains = []
                for c in range(4):
                    m = blkmin[pl.ds((4 * c) * L, L)]
                    bi = _splat_i(4 * c)
                    for b in range(4 * c + 1, 4 * c + 4):
                        v = blkmin[pl.ds(b * L, L)]
                        upd = v < m
                        m = jnp.where(upd, v, m)
                        bi = jnp.where(upd, _splat_i(b), bi)
                    chains.append((m, bi))
                m, bstar = chains[0]
                for cm, cb in chains[1:]:
                    upd = cm < m
                    m = jnp.where(upd, cm, m)
                    bstar = jnp.where(upd, cb, bstar)
                sseg0 = bstar * SEG_PER_BLK
                sv0 = plsc.load_gather(segmin, [sseg0 * L + lanes])
                sidx = sseg0
                for u in range(1, SEG_PER_BLK):
                    v = plsc.load_gather(segmin, [(sseg0 + u) * L + lanes])
                    upd = v < sv0
                    sv0 = jnp.where(upd, v, sv0)
                    sidx = jnp.where(upd, sseg0 + u, sidx)
                m = sv0

                sbase = sidx * L
                vts = [plsc.load_gather(buf, [lanes, sbase + t])
                       for t in range(L)]
                jstar = sbase + (L - 1)
                for t in range(L - 1, -1, -1):
                    jstar = jnp.where(vts[t] == m, sbase + t, jstar)

                plsc.store_scatter(buf, [lanes, jstar], inf)
                sm2 = inf
                for t in range(L):
                    sm2 = jnp.minimum(
                        sm2, jnp.where(sbase + t == jstar, inf, vts[t]))
                plsc.store_scatter(segmin, [sidx * L + lanes], sm2)
                bm2 = inf
                for u in range(SEG_PER_BLK):
                    su = sseg0 + u
                    v = plsc.load_gather(segmin, [su * L + lanes])
                    bm2 = jnp.minimum(bm2, jnp.where(su == sidx, sm2, v))
                plsc.store_scatter(blkmin, [bstar * L + lanes], bm2)

                pjx = plsc.load_gather(px_v, [jstar])
                pjy = plsc.load_gather(py_v, [jstar])
                pjz = plsc.load_gather(pz_v, [jstar])
                cx, cy, cz = cart_of(wrap(rx - pjx), wrap(ry - pjy),
                                     wrap(rz - pjz))

                d2c = jnp.maximum(m, zero)
                bits = plsc.bitcast(d2c, jnp.int32)
                y = plsc.bitcast(_splat_i(0x5F3759DF) - (bits >> 1), jnp.float32)
                hx = 0.5 * d2c
                y = y * (1.5 - hx * y * y)
                y = y * (1.5 - hx * y * y)
                sr = d2c * y
                sr = 0.5 * (sr + d2c / sr)
                dist = jnp.where(d2c > zero, sr, zero)

                ksp = jnp.full((L,), kk, jnp.int32)
                plsc.store_scatter(idx_st, [lanes, ksp], jstar)
                plsc.store_scatter(dist_st, [lanes, ksp], dist)
                k3 = ksp * 3
                plsc.store_scatter(vec_st, [lanes, k3], cx)
                plsc.store_scatter(vec_st, [lanes, k3 + 1], cy)
                plsc.store_scatter(vec_st, [lanes, k3 + 2], cz)
                return _
            lax.fori_loop(0, K, rank_body, None, unroll=False)

            pltpu.sync_copy(idx_st, oidx_h.at[pl.ds(row0, L)])
            pltpu.sync_copy(dist_st, odist_h.at[pl.ds(row0, L)])
            pltpu.sync_copy(vec_st, ovec_h.at[pl.ds(row0, L)])
            return _

        lax.fori_loop(0, NGROUPS, group_body, None, unroll=False)

    return knn_kernel(d2m, px, py, pz, cellv)


def kernel(positions, cell):
    px = positions[:, 0]
    py = positions[:, 1]
    pz = positions[:, 2]
    cb = lax.bitcast_convert_type(cell, jnp.int32)
    cb = (cb + (jnp.int32(0x7FFF) + ((cb >> 16) & 1))) & jnp.int32(-65536)
    cellb = lax.bitcast_convert_type(cb, jnp.float32)
    d2m = _d2_tc(px[:, None], py[:, None], pz[:, None],
                 px[None, :], py[None, :], pz[None, :], cellb)
    cellv = jnp.zeros((L,), jnp.float32).at[1:10].set(cellb.reshape(9))
    oidx, od, ov = _knn_sc(d2m, px, py, pz, cellv)
    src = jnp.broadcast_to(jnp.arange(N, dtype=jnp.int32)[:, None], (N, K))
    edge_index = jnp.stack([src.reshape(-1), oidx.reshape(-1)], axis=0)
    edge_vec = ov.reshape(N * K, 3)
    edge_dist = od.reshape(-1)
    return edge_index, edge_vec, edge_dist

# --- scband reference (transcript-rebuilt; emitter-appended) ---
"""Pipeline reference for scband-periodic-knn-py-g-76347338654306 (READ-ONLY COPY).

The authoritative reference and input builder live on the scoring server;
editing this copy changes nothing except your own understanding.
"""

import jax, jax.numpy as jnp
import numpy as np

K = 19

def setup_inputs(seed: int = 0) -> dict:
    key = jax.random.key(seed)
    k1, k2 = jax.random.split(key)
    # fractional coordinates in [0, 1)
    positions = jax.random.uniform(k1, (2048, 3), dtype=jnp.float32)
    # near-orthorhombic lattice cell (Angstrom scale) with slight skew
    cell = 20.0 * jnp.eye(3, dtype=jnp.float32) + 0.5 * jax.random.uniform(k2, (3, 3), dtype=jnp.float32)
    return {"positions": positions, "cell": cell}

def reference(positions, cell):
    n = positions.shape[0]
    # pairwise fractional displacement with minimum-image convention (periodic wrap)
    df = positions[:, None, :] - positions[None, :, :]
    df = df - jnp.round(df)
    # map to Cartesian via lattice cell
    cart = jnp.einsum('ijk,kl->ijl', df, cell)
    dist2 = jnp.sum(cart * cart, axis=-1)
    # exclude self-loops
    eye = jnp.eye(n, dtype=bool)
    dist2 = jnp.where(eye, jnp.inf, dist2)
    # k nearest neighbors per node
    _, idx = jax.lax.top_k(-dist2, K)
    src = jnp.broadcast_to(jnp.arange(n, dtype=jnp.int32)[:, None], (n, K))
    edge_index = jnp.stack([src.reshape(-1), idx.reshape(-1).astype(jnp.int32)], axis=0)
    edge_dist = jnp.sqrt(jnp.take_along_axis(dist2, idx, axis=1)).reshape(-1)
    edge_vec = jnp.take_along_axis(cart, idx[:, :, None], axis=1).reshape(-1, 3)
    return edge_index, edge_vec, edge_dist

if __name__ == "__main__":
    import jax
    _d = setup_inputs()
    print(jax.jit(kernel)(*tuple(_d.values())))

</pallas_src>

<mosaic_0001>
#map = affine_map<(d0, d1) -> (0, 0)>
#map1 = affine_map<(d0, d1) -> (0)>
module attributes {stable_mosaic.version = 14 : i64} {
  func.func @knn_kernel(%arg0: i32, %arg1: i32, %arg2: memref<2048x2048xf32, #tpu.memory_space<hbm>>, %arg3: memref<2048xf32, #tpu.memory_space<hbm>>, %arg4: memref<2048xf32, #tpu.memory_space<hbm>>, %arg5: memref<2048xf32, #tpu.memory_space<hbm>>, %arg6: memref<16xf32, #tpu.memory_space<hbm>>, %arg7: memref<2048x19xi32, #tpu.memory_space<hbm>>, %arg8: memref<2048x19xf32, #tpu.memory_space<hbm>>, %arg9: memref<2048x57xf32, #tpu.memory_space<hbm>>, %arg10: memref<2048xf32, #tpu.memory_space<vmem>>, %arg11: memref<2048xf32, #tpu.memory_space<vmem>>, %arg12: memref<2048xf32, #tpu.memory_space<vmem>>, %arg13: memref<16xf32, #tpu.memory_space<vmem>>, %arg14: memref<16x2048xf32, #tpu.memory_space<vmem>>, %arg15: memref<2048xf32, #tpu.memory_space<vmem>>, %arg16: memref<256xf32, #tpu.memory_space<vmem>>, %arg17: memref<16x19xi32, #tpu.memory_space<vmem>>, %arg18: memref<16x19xf32, #tpu.memory_space<vmem>>, %arg19: memref<16x57xf32, #tpu.memory_space<vmem>>) attributes {dimension_semantics = [#tpu.dimension_semantics<core_parallel>, #tpu.dimension_semantics<subcore_parallel>], iteration_bounds = array<i64: 2, 16>, scalar_prefetch = 0 : i64, scratch_operands = 10 : i64, tpu.core_type = #tpu.core_type<sc_vector_subcore>, window_params = [{transform_indices = #map}, {transform_indices = #map1}, {transform_indices = #map1}, {transform_indices = #map1}, {transform_indices = #map1}, {transform_indices = #map}, {transform_indices = #map}, {transform_indices = #map}]} {
    %mul3A = arith.constant 2 : i32
    %mul3A_0 = arith.muli %arg1, %mul3A : i32
    %add3A = arith.addi %mul3A_0, %arg0 : i32
    "tpu.region"() ({
      %run_scoped3A = tpu.sem_alloc : memref<!tpu.dma_semaphore, #tpu.memory_space<semaphore_mem>>
      tpu.enqueue_dma source(%arg3 : memref<2048xf32, #tpu.memory_space<hbm>>) target(%arg10 : memref<2048xf32, #tpu.memory_space<vmem>>) target_semaphore(%run_scoped3A : memref<!tpu.dma_semaphore, #tpu.memory_space<semaphore_mem>>)
      tpu.wait_dma2 semaphore(%run_scoped3A : memref<!tpu.dma_semaphore, #tpu.memory_space<semaphore_mem>>) src(%arg3 : memref<2048xf32, #tpu.memory_space<hbm>>) dst(%arg10 : memref<2048xf32, #tpu.memory_space<vmem>>)
      tpu.yield
    }) : () -> ()
    "tpu.region"() ({
      %run_scoped3A = tpu.sem_alloc : memref<!tpu.dma_semaphore, #tpu.memory_space<semaphore_mem>>
      tpu.enqueue_dma source(%arg4 : memref<2048xf32, #tpu.memory_space<hbm>>) target(%arg11 : memref<2048xf32, #tpu.memory_space<vmem>>) target_semaphore(%run_scoped3A : memref<!tpu.dma_semaphore, #tpu.memory_space<semaphore_mem>>)
      tpu.wait_dma2 semaphore(%run_scoped3A : memref<!tpu.dma_semaphore, #tpu.memory_space<semaphore_mem>>) src(%arg4 : memref<2048xf32, #tpu.memory_space<hbm>>) dst(%arg11 : memref<2048xf32, #tpu.memory_space<vmem>>)
      tpu.yield
    }) : () -> ()
    "tpu.region"() ({
      %run_scoped3A = tpu.sem_alloc : memref<!tpu.dma_semaphore, #tpu.memory_space<semaphore_mem>>
      tpu.enqueue_dma source(%arg5 : memref<2048xf32, #tpu.memory_space<hbm>>) target(%arg12 : memref<2048xf32, #tpu.memory_space<vmem>>) target_semaphore(%run_scoped3A : memref<!tpu.dma_semaphore, #tpu.memory_space<semaphore_mem>>)
      tpu.wait_dma2 semaphore(%run_scoped3A : memref<!tpu.dma_semaphore, #tpu.memory_space<semaphore_mem>>) src(%arg5 : memref<2048xf32, #tpu.memory_space<hbm>>) dst(%arg12 : memref<2048xf32, #tpu.memory_space<vmem>>)
      tpu.yield
    }) : () -> ()
    "tpu.region"() ({
      %run_scoped3A = tpu.sem_alloc : memref<!tpu.dma_semaphore, #tpu.memory_space<semaphore_mem>>
      tpu.enqueue_dma source(%arg6 : memref<16xf32, #tpu.memory_space<hbm>>) target(%arg13 : memref<16xf32, #tpu.memory_space<vmem>>) target_semaphore(%run_scoped3A : memref<!tpu.dma_semaphore, #tpu.memory_space<semaphore_mem>>)
      tpu.wait_dma2 semaphore(%run_scoped3A : memref<!tpu.dma_semaphore, #tpu.memory_space<semaphore_mem>>) src(%arg6 : memref<16xf32, #tpu.memory_space<hbm>>) dst(%arg13 : memref<16xf32, #tpu.memory_space<vmem>>)
      tpu.yield
    }) : () -> ()
    %iota3A = tpu.iota {dimensions = array<i32: 0>} : vector<16xi32>
    %broadcast_in_dim3A = arith.constant 5.000000e-01 : f32
    %broadcast_in_dim3A_1 = vector.broadcast %broadcast_in_dim3A : f32 to vector<16xf32>
    %broadcast_in_dim3A_2 = arith.constant 0.000000e+00 : f32
    %broadcast_in_dim3A_3 = vector.broadcast %broadcast_in_dim3A_2 : f32 to vector<16xf32>
    %broadcast_in_dim3A_4 = arith.constant 0x7F800000 : f32
    %broadcast_in_dim3A_5 = vector.broadcast %broadcast_in_dim3A_4 : f32 to vector<16xf32>
    %broadcast_in_dim3A_6 = arith.constant 1 : i32
    %broadcast_in_dim3A_7 = vector.broadcast %broadcast_in_dim3A_6 : i32 to vector<16xi32>
    %gather3A = tpu.vector_load_idx %arg13[%broadcast_in_dim3A_7] : memref<16xf32, #tpu.memory_space<vmem>>[vector<16xi32>], vector<16xf32>,
    %broadcast_in_dim3A_8 = arith.constant 2 : i32
    %broadcast_in_dim3A_9 = vector.broadcast %broadcast_in_dim3A_8 : i32 to vector<16xi32>
    %gather3A_10 = tpu.vector_load_idx %arg13[%broadcast_in_dim3A_9] : memref<16xf32, #tpu.memory_space<vmem>>[vector<16xi32>], vector<16xf32>,
    %broadcast_in_dim3A_11 = arith.constant 3 : i32
    %broadcast_in_dim3A_12 = vector.broadcast %broadcast_in_dim3A_11 : i32 to vector<16xi32>
    %gather3A_13 = tpu.vector_load_idx %arg13[%broadcast_in_dim3A_12] : memref<16xf32, #tpu.memory_space<vmem>>[vector<16xi32>], vector<16xf32>,
    %broadcast_in_dim3A_14 = arith.constant 4 : i32
    %broadcast_in_dim3A_15 = vector.broadcast %broadcast_in_dim3A_14 : i32 to vector<16xi32>
    %gather3A_16 = tpu.vector_load_idx %arg13[%broadcast_in_dim3A_15] : memref<16xf32, #tpu.memory_space<vmem>>[vector<16xi32>], vector<16xf32>,
    %broadcast_in_dim3A_17 = arith.constant 5 : i32
    %broadcast_in_dim3A_18 = vector.broadcast %broadcast_in_dim3A_17 : i32 to vector<16xi32>
    %gather3A_19 = tpu.vector_load_idx %arg13[%broadcast_in_dim3A_18] : memref<16xf32, #tpu.memory_space<vmem>>[vector<16xi32>], vector<16xf32>,
    %broadcast_in_dim3A_20 = arith.constant 6 : i32
    %broadcast_in_dim3A_21 = vector.broadcast %broadcast_in_dim3A_20 : i32 to vector<16xi32>
    %gather3A_22 = tpu.vector_load_idx %arg13[%broadcast_in_dim3A_21] : memref<16xf32, #tpu.memory_space<vmem>>[vector<16xi32>], vector<16xf32>,
    %broadcast_in_dim3A_23 = arith.constant 7 : i32
    %broadcast_in_dim3A_24 = vector.broadcast %broadcast_in_dim3A_23 : i32 to vector<16xi32>
    %gather3A_25 = tpu.vector_load_idx %arg13[%broadcast_in_dim3A_24] : memref<16xf32, #tpu.memory_space<vmem>>[vector<16xi32>], vector<16xf32>,
    %broadcast_in_dim3A_26 = arith.constant 8 : i32
    %broadcast_in_dim3A_27 = vector.broadcast %broadcast_in_dim3A_26 : i32 to vector<16xi32>
    %gather3A_28 = tpu.vector_load_idx %arg13[%broadcast_in_dim3A_27] : memref<16xf32, #tpu.memory_space<vmem>>[vector<16xi32>], vector<16xf32>,
    %broadcast_in_dim3A_29 = arith.constant 9 : i32
    %broadcast_in_dim3A_30 = vector.broadcast %broadcast_in_dim3A_29 : i32 to vector<16xi32>
    %gather3A_31 = tpu.vector_load_idx %arg13[%broadcast_in_dim3A_30] : memref<16xf32, #tpu.memory_space<vmem>>[vector<16xi32>], vector<16xf32>,
    %scan3A = arith.constant 0 : i32
    %scan3A_32 = arith.constant 4 : i32
    %scan3A_33 = arith.addi %scan3A, %scan3A_32 : i32
    %scan3A_34 = arith.constant 1 : i32
    scf.for %scan3A_36 = %scan3A to %scan3A_33 step %scan3A_34  : i32 {
      %mul3A_37 = arith.constant 64 : i32
      %mul3A_38 = arith.muli %add3A, %mul3A_37 : i32
      %mul3A_39 = arith.constant 16 : i32
      %mul3A_40 = arith.muli %scan3A_36, %mul3A_39 : i32
      %add3A_41 = arith.addi %mul3A_38, %mul3A_40 : i32
      %get3A = arith.index_cast %add3A_41 : i32 to index
      %get3A_42 = tpu.vector_load %arg10[%get3A] {strides = array<i32>} : memref<2048xf32, #tpu.memory_space<vmem>>, vector<16xf32>,
      %get3A_43 = arith.index_cast %add3A_41 : i32 to index
      %get3A_44 = tpu.vector_load %arg11[%get3A_43] {strides = array<i32>} : memref<2048xf32, #tpu.memory_space<vmem>>, vector<16xf32>,
      %get3A_45 = arith.index_cast %add3A_41 : i32 to index
      %get3A_46 = tpu.vector_load %arg12[%get3A_45] {strides = array<i32>} : memref<2048xf32, #tpu.memory_space<vmem>>, vector<16xf32>,
      "tpu.region"() ({
        %run_scoped3A = tpu.sem_alloc : memref<!tpu.dma_semaphore, #tpu.memory_space<semaphore_mem>>
        %dma_start3A = arith.constant 0 : i32
        %dma_start3A_62 = tpu.memref_slice %arg2[%add3A_41, %dma_start3A] : memref<2048x2048xf32, #tpu.memory_space<hbm>> -> memref<16x2048xf32, #tpu.memory_space<hbm>>
        %dma_start3A_63 = arith.constant 0 : i32
        %dma_start3A_64 = tpu.memref_slice %arg2[%add3A_41, %dma_start3A_63] : memref<2048x2048xf32, #tpu.memory_space<hbm>> -> memref<16x2048xf32, #tpu.memory_space<hbm>>
        tpu.enqueue_dma source(%dma_start3A_64 : memref<16x2048xf32, #tpu.memory_space<hbm>>) target(%arg14 : memref<16x2048xf32, #tpu.memory_space<vmem>>) target_semaphore(%run_scoped3A : memref<!tpu.dma_semaphore, #tpu.memory_space<semaphore_mem>>)
        %dma_wait3A = arith.constant 0 : i32
        %dma_wait3A_65 = tpu.memref_slice %arg2[%add3A_41, %dma_wait3A] : memref<2048x2048xf32, #tpu.memory_space<hbm>> -> memref<16x2048xf32, #tpu.memory_space<hbm>>
        %dma_wait3A_66 = arith.constant 0 : i32
        %dma_wait3A_67 = tpu.memref_slice %arg2[%add3A_41, %dma_wait3A_66] : memref<2048x2048xf32, #tpu.memory_space<hbm>> -> memref<16x2048xf32, #tpu.memory_space<hbm>>
        tpu.wait_dma2 semaphore(%run_scoped3A : memref<!tpu.dma_semaphore, #tpu.memory_space<semaphore_mem>>) src(%dma_wait3A_67 : memref<16x2048xf32, #tpu.memory_space<hbm>>) dst(%arg14 : memref<16x2048xf32, #tpu.memory_space<vmem>>)
        tpu.yield
      }) : () -> ()
      %scan3A_47 = arith.constant 0 : i32
      %scan3A_48 = arith.constant 128 : i32
      %scan3A_49 = arith.addi %scan3A_47, %scan3A_48 : i32
      %scan3A_50 = arith.constant 1 : i32
      scf.for %scan3A_62 = %scan3A_47 to %scan3A_49 step %scan3A_50  : i32 {
        %broadcast_in_dim3A_63 = arith.constant 0 : i32
        %broadcast_in_dim3A_64 = vector.broadcast %broadcast_in_dim3A_63 : i32 to vector<16xi32>
        %mul3A_65 = arith.constant 16 : i32
        %mul3A_66 = arith.muli %scan3A_62, %mul3A_65 : i32
        %add3A_67 = arith.constant 0 : i32
        %add3A_68 = arith.addi %mul3A_66, %add3A_67 : i32
        %add3A_69 = vector.broadcast %add3A_68 : i32 to vector<16xi32>
        %add3A_70 = arith.addi %broadcast_in_dim3A_64, %add3A_69 : vector<16xi32>
        %gather3A_71 = tpu.vector_load_idx %arg14[%iota3A, %add3A_70] : memref<16x2048xf32, #tpu.memory_space<vmem>>[vector<16xi32>, vector<16xi32>], vector<16xf32>,
        %min3A = arith.minimumf %broadcast_in_dim3A_5, %gather3A_71 : vector<16xf32>
        %broadcast_in_dim3A_72 = arith.constant 0 : i32
        %broadcast_in_dim3A_73 = vector.broadcast %broadcast_in_dim3A_72 : i32 to vector<16xi32>
        %mul3A_74 = arith.constant 16 : i32
        %mul3A_75 = arith.muli %scan3A_62, %mul3A_74 : i32
        %add3A_76 = arith.constant 1 : i32
        %add3A_77 = arith.addi %mul3A_75, %add3A_76 : i32
        %add3A_78 = vector.broadcast %add3A_77 : i32 to vector<16xi32>
        %add3A_79 = arith.addi %broadcast_in_dim3A_73, %add3A_78 : vector<16xi32>
        %gather3A_80 = tpu.vector_load_idx %arg14[%iota3A, %add3A_79] : memref<16x2048xf32, #tpu.memory_space<vmem>>[vector<16xi32>, vector<16xi32>], vector<16xf32>,
        %min3A_81 = arith.minimumf %min3A, %gather3A_80 : vector<16xf32>
        %broadcast_in_dim3A_82 = arith.constant 0 : i32
        %broadcast_in_dim3A_83 = vector.broadcast %broadcast_in_dim3A_82 : i32 to vector<16xi32>
        %mul3A_84 = arith.constant 16 : i32
        %mul3A_85 = arith.muli %scan3A_62, %mul3A_84 : i32
        %add3A_86 = arith.constant 2 : i32
        %add3A_87 = arith.addi %mul3A_85, %add3A_86 : i32
        %add3A_88 = vector.broadcast %add3A_87 : i32 to vector<16xi32>
        %add3A_89 = arith.addi %broadcast_in_dim3A_83, %add3A_88 : vector<16xi32>
        %gather3A_90 = tpu.vector_load_idx %arg14[%iota3A, %add3A_89] : memref<16x2048xf32, #tpu.memory_space<vmem>>[vector<16xi32>, vector<16xi32>], vector<16xf32>,
        %min3A_91 = arith.minimumf %min3A_81, %gather3A_90 : vector<16xf32>
        %broadcast_in_dim3A_92 = arith.constant 0 : i32
        %broadcast_in_dim3A_93 = vector.broadcast %broadcast_in_dim3A_92 : i32 to vector<16xi32>
        %mul3A_94 = arith.constant 16 : i32
        %mul3A_95 = arith.muli %scan3A_62, %mul3A_94 : i32
        %add3A_96 = arith.constant 3 : i32
        %add3A_97 = arith.addi %mul3A_95, %add3A_96 : i32
        %add3A_98 = vector.broadcast %add3A_97 : i32 to vector<16xi32>
        %add3A_99 = arith.addi %broadcast_in_dim3A_93, %add3A_98 : vector<16xi32>
        %gather3A_100 = tpu.vector_load_idx %arg14[%iota3A, %add3A_99] : memref<16x2048xf32, #tpu.memory_space<vmem>>[vector<16xi32>, vector<16xi32>], vector<16xf32>,
        %min3A_101 = arith.minimumf %min3A_91, %gather3A_100 : vector<16xf32>
        %broadcast_in_dim3A_102 = arith.constant 0 : i32
        %broadcast_in_dim3A_103 = vector.broadcast %broadcast_in_dim3A_102 : i32 to vector<16xi32>
        %mul3A_104 = arith.constant 16 : i32
        %mul3A_105 = arith.muli %scan3A_62, %mul3A_104 : i32
        %add3A_106 = arith.constant 4 : i32
        %add3A_107 = arith.addi %mul3A_105, %add3A_106 : i32
        %add3A_108 = vector.broadcast %add3A_107 : i32 to vector<16xi32>
        %add3A_109 = arith.addi %broadcast_in_dim3A_103, %add3A_108 : vector<16xi32>
        %gather3A_110 = tpu.vector_load_idx %arg14[%iota3A, %add3A_109] : memref<16x2048xf32, #tpu.memory_space<vmem>>[vector<16xi32>, vector<16xi32>], vector<16xf32>,
        %min3A_111 = arith.minimumf %min3A_101, %gather3A_110 : vector<16xf32>
        %broadcast_in_dim3A_112 = arith.constant 0 : i32
        %broadcast_in_dim3A_113 = vector.broadcast %broadcast_in_dim3A_112 : i32 to vector<16xi32>
        %mul3A_114 = arith.constant 16 : i32
        %mul3A_115 = arith.muli %scan3A_62, %mul3A_114 : i32
        %add3A_116 = arith.constant 5 : i32
        %add3A_117 = arith.addi %mul3A_115, %add3A_116 : i32
        %add3A_118 = vector.broadcast %add3A_117 : i32 to vector<16xi32>
        %add3A_119 = arith.addi %broadcast_in_dim3A_113, %add3A_118 : vector<16xi32>
        %gather3A_120 = tpu.vector_load_idx %arg14[%iota3A, %add3A_119] : memref<16x2048xf32, #tpu.memory_space<vmem>>[vector<16xi32>, vector<16xi32>], vector<16xf32>,
        %min3A_121 = arith.minimumf %min3A_111, %gather3A_120 : vector<16xf32>
        %broadcast_in_dim3A_122 = arith.constant 0 : i32
        %broadcast_in_dim3A_123 = vector.broadcast %broadcast_in_dim3A_122 : i32 to vector<16xi32>
        %mul3A_124 = arith.constant 16 : i32
        %mul3A_125 = arith.muli %scan3A_62, %mul3A_124 : i32
        %add3A_126 = arith.constant 6 : i32
        %add3A_127 = arith.addi %mul3A_125, %add3A_126 : i32
        %add3A_128 = vector.broadcast %add3A_127 : i32 to vector<16xi32>
        %add3A_129 = arith.addi %broadcast_in_dim3A_123, %add3A_128 : vector<16xi32>
        %gather3A_130 = tpu.vector_load_idx %arg14[%iota3A, %add3A_129] : memref<16x2048xf32, #tpu.memory_space<vmem>>[vector<16xi32>, vector<16xi32>], vector<16xf32>,
        %min3A_131 = arith.minimumf %min3A_121, %gather3A_130 : vector<16xf32>
        %broadcast_in_dim3A_132 = arith.constant 0 : i32
        %broadcast_in_dim3A_133 = vector.broadcast %broadcast_in_dim3A_132 : i32 to vector<16xi32>
        %mul3A_134 = arith.constant 16 : i32
        %mul3A_135 = arith.muli %scan3A_62, %mul3A_134 : i32
        %add3A_136 = arith.constant 7 : i32
        %add3A_137 = arith.addi %mul3A_135, %add3A_136 : i32
        %add3A_138 = vector.broadcast %add3A_137 : i32 to vector<16xi32>
        %add3A_139 = arith.addi %broadcast_in_dim3A_133, %add3A_138 : vector<16xi32>
        %gather3A_140 = tpu.vector_load_idx %arg14[%iota3A, %add3A_139] : memref<16x2048xf32, #tpu.memory_space<vmem>>[vector<16xi32>, vector<16xi32>], vector<16xf32>,
        %min3A_141 = arith.minimumf %min3A_131, %gather3A_140 : vector<16xf32>
        %broadcast_in_dim3A_142 = arith.constant 0 : i32
        %broadcast_in_dim3A_143 = vector.broadcast %broadcast_in_dim3A_142 : i32 to vector<16xi32>
        %mul3A_144 = arith.constant 16 : i32
        %mul3A_145 = arith.muli %scan3A_62, %mul3A_144 : i32
        %add3A_146 = arith.constant 8 : i32
        %add3A_147 = arith.addi %mul3A_145, %add3A_146 : i32
        %add3A_148 = vector.broadcast %add3A_147 : i32 to vector<16xi32>
        %add3A_149 = arith.addi %broadcast_in_dim3A_143, %add3A_148 : vector<16xi32>
        %gather3A_150 = tpu.vector_load_idx %arg14[%iota3A, %add3A_149] : memref<16x2048xf32, #tpu.memory_space<vmem>>[vector<16xi32>, vector<16xi32>], vector<16xf32>,
        %min3A_151 = arith.minimumf %min3A_141, %gather3A_150 : vector<16xf32>
        %broadcast_in_dim3A_152 = arith.constant 0 : i32
        %broadcast_in_dim3A_153 = vector.broadcast %broadcast_in_dim3A_152 : i32 to vector<16xi32>
        %mul3A_154 = arith.constant 16 : i32
        %mul3A_155 = arith.muli %scan3A_62, %mul3A_154 : i32
        %add3A_156 = arith.constant 9 : i32
        %add3A_157 = arith.addi %mul3A_155, %add3A_156 : i32
        %add3A_158 = vector.broadcast %add3A_157 : i32 to vector<16xi32>
        %add3A_159 = arith.addi %broadcast_in_dim3A_153, %add3A_158 : vector<16xi32>
        %gather3A_160 = tpu.vector_load_idx %arg14[%iota3A, %add3A_159] : memref<16x2048xf32, #tpu.memory_space<vmem>>[vector<16xi32>, vector<16xi32>], vector<16xf32>,
        %min3A_161 = arith.minimumf %min3A_151, %gather3A_160 : vector<16xf32>
        %broadcast_in_dim3A_162 = arith.constant 0 : i32
        %broadcast_in_dim3A_163 = vector.broadcast %broadcast_in_dim3A_162 : i32 to vector<16xi32>
        %mul3A_164 = arith.constant 16 : i32
        %mul3A_165 = arith.muli %scan3A_62, %mul3A_164 : i32
        %add3A_166 = arith.constant 10 : i32
        %add3A_167 = arith.addi %mul3A_165, %add3A_166 : i32
        %add3A_168 = vector.broadcast %add3A_167 : i32 to vector<16xi32>
        %add3A_169 = arith.addi %broadcast_in_dim3A_163, %add3A_168 : vector<16xi32>
        %gather3A_170 = tpu.vector_load_idx %arg14[%iota3A, %add3A_169] : memref<16x2048xf32, #tpu.memory_space<vmem>>[vector<16xi32>, vector<16xi32>], vector<16xf32>,
        %min3A_171 = arith.minimumf %min3A_161, %gather3A_170 : vector<16xf32>
        %broadcast_in_dim3A_172 = arith.constant 0 : i32
        %broadcast_in_dim3A_173 = vector.broadcast %broadcast_in_dim3A_172 : i32 to vector<16xi32>
        %mul3A_174 = arith.constant 16 : i32
        %mul3A_175 = arith.muli %scan3A_62, %mul3A_174 : i32
        %add3A_176 = arith.constant 11 : i32
        %add3A_177 = arith.addi %mul3A_175, %add3A_176 : i32
        %add3A_178 = vector.broadcast %add3A_177 : i32 to vector<16xi32>
        %add3A_179 = arith.addi %broadcast_in_dim3A_173, %add3A_178 : vector<16xi32>
        %gather3A_180 = tpu.vector_load_idx %arg14[%iota3A, %add3A_179] : memref<16x2048xf32, #tpu.memory_space<vmem>>[vector<16xi32>, vector<16xi32>], vector<16xf32>,
        %min3A_181 = arith.minimumf %min3A_171, %gather3A_180 : vector<16xf32>
        %broadcast_in_dim3A_182 = arith.constant 0 : i32
        %broadcast_in_dim3A_183 = vector.broadcast %broadcast_in_dim3A_182 : i32 to vector<16xi32>
        %mul3A_184 = arith.constant 16 : i32
        %mul3A_185 = arith.muli %scan3A_62, %mul3A_184 : i32
        %add3A_186 = arith.constant 12 : i32
        %add3A_187 = arith.addi %mul3A_185, %add3A_186 : i32
        %add3A_188 = vector.broadcast %add3A_187 : i32 to vector<16xi32>
        %add3A_189 = arith.addi %broadcast_in_dim3A_183, %add3A_188 : vector<16xi32>
        %gather3A_190 = tpu.vector_load_idx %arg14[%iota3A, %add3A_189] : memref<16x2048xf32, #tpu.memory_space<vmem>>[vector<16xi32>, vector<16xi32>], vector<16xf32>,
        %min3A_191 = arith.minimumf %min3A_181, %gather3A_190 : vector<16xf32>
        %broadcast_in_dim3A_192 = arith.constant 0 : i32
        %broadcast_in_dim3A_193 = vector.broadcast %broadcast_in_dim3A_192 : i32 to vector<16xi32>
        %mul3A_194 = arith.constant 16 : i32
        %mul3A_195 = arith.muli %scan3A_62, %mul3A_194 : i32
        %add3A_196 = arith.constant 13 : i32
        %add3A_197 = arith.addi %mul3A_195, %add3A_196 : i32
        %add3A_198 = vector.broadcast %add3A_197 : i32 to vector<16xi32>
        %add3A_199 = arith.addi %broadcast_in_dim3A_193, %add3A_198 : vector<16xi32>
        %gather3A_200 = tpu.vector_load_idx %arg14[%iota3A, %add3A_199] : memref<16x2048xf32, #tpu.memory_space<vmem>>[vector<16xi32>, vector<16xi32>], vector<16xf32>,
        %min3A_201 = arith.minimumf %min3A_191, %gather3A_200 : vector<16xf32>
        %broadcast_in_dim3A_202 = arith.constant 0 : i32
        %broadcast_in_dim3A_203 = vector.broadcast %broadcast_in_dim3A_202 : i32 to vector<16xi32>
        %mul3A_204 = arith.constant 16 : i32
        %mul3A_205 = arith.muli %scan3A_62, %mul3A_204 : i32
        %add3A_206 = arith.constant 14 : i32
        %add3A_207 = arith.addi %mul3A_205, %add3A_206 : i32
        %add3A_208 = vector.broadcast %add3A_207 : i32 to vector<16xi32>
        %add3A_209 = arith.addi %broadcast_in_dim3A_203, %add3A_208 : vector<16xi32>
        %gather3A_210 = tpu.vector_load_idx %arg14[%iota3A, %add3A_209] : memref<16x2048xf32, #tpu.memory_space<vmem>>[vector<16xi32>, vector<16xi32>], vector<16xf32>,
        %min3A_211 = arith.minimumf %min3A_201, %gather3A_210 : vector<16xf32>
        %broadcast_in_dim3A_212 = arith.constant 0 : i32
        %broadcast_in_dim3A_213 = vector.broadcast %broadcast_in_dim3A_212 : i32 to vector<16xi32>
        %mul3A_214 = arith.constant 16 : i32
        %mul3A_215 = arith.muli %scan3A_62, %mul3A_214 : i32
        %add3A_216 = arith.constant 15 : i32
        %add3A_217 = arith.addi %mul3A_215, %add3A_216 : i32
        %add3A_218 = vector.broadcast %add3A_217 : i32 to vector<16xi32>
        %add3A_219 = arith.addi %broadcast_in_dim3A_213, %add3A_218 : vector<16xi32>
        %gather3A_220 = tpu.vector_load_idx %arg14[%iota3A, %add3A_219] : memref<16x2048xf32, #tpu.memory_space<vmem>>[vector<16xi32>, vector<16xi32>], vector<16xf32>,
        %min3A_221 = arith.minimumf %min3A_211, %gather3A_220 : vector<16xf32>
        %mul3A_222 = arith.constant 16 : i32
        %mul3A_223 = arith.muli %scan3A_62, %mul3A_222 : i32
        %swap3A = arith.index_cast %mul3A_223 : i32 to index
        %swap3A_224 = tpu.vector_load %arg15[%swap3A] {strides = array<i32>} : memref<2048xf32, #tpu.memory_space<vmem>>, vector<16xf32>,
        tpu.vector_store %arg15[%swap3A], %min3A_221 {strides = array<i32>} : memref<2048xf32, #tpu.memory_space<vmem>>, vector<16xf32>,
      }
      %scan3A_51 = arith.constant 128 : i32
      %scan3A_52 = arith.constant 0 : i32
      %scan3A_53 = arith.constant 16 : i32
      %scan3A_54 = arith.addi %scan3A_52, %scan3A_53 : i32
      %scan3A_55 = arith.constant 1 : i32
      scf.for %scan3A_62 = %scan3A_52 to %scan3A_54 step %scan3A_55  : i32 {
        %mul3A_63 = arith.constant 8 : i32
        %mul3A_64 = arith.muli %scan3A_62, %mul3A_63 : i32
        %add3A_65 = arith.constant 0 : i32
        %add3A_66 = arith.addi %mul3A_64, %add3A_65 : i32
        %mul3A_67 = arith.constant 16 : i32
        %mul3A_68 = arith.muli %add3A_66, %mul3A_67 : i32
        %get3A_69 = arith.index_cast %mul3A_68 : i32 to index
        %get3A_70 = tpu.vector_load %arg15[%get3A_69] {strides = array<i32>} : memref<2048xf32, #tpu.memory_space<vmem>>, vector<16xf32>,
        %min3A = arith.minimumf %broadcast_in_dim3A_5, %get3A_70 : vector<16xf32>
        %mul3A_71 = arith.constant 8 : i32
        %mul3A_72 = arith.muli %scan3A_62, %mul3A_71 : i32
        %add3A_73 = arith.constant 1 : i32
        %add3A_74 = arith.addi %mul3A_72, %add3A_73 : i32
        %mul3A_75 = arith.constant 16 : i32
        %mul3A_76 = arith.muli %add3A_74, %mul3A_75 : i32
        %get3A_77 = arith.index_cast %mul3A_76 : i32 to index
        %get3A_78 = tpu.vector_load %arg15[%get3A_77] {strides = array<i32>} : memref<2048xf32, #tpu.memory_space<vmem>>, vector<16xf32>,
        %min3A_79 = arith.minimumf %min3A, %get3A_78 : vector<16xf32>
        %mul3A_80 = arith.constant 8 : i32
        %mul3A_81 = arith.muli %scan3A_62, %mul3A_80 : i32
        %add3A_82 = arith.constant 2 : i32
        %add3A_83 = arith.addi %mul3A_81, %add3A_82 : i32
        %mul3A_84 = arith.constant 16 : i32
        %mul3A_85 = arith.muli %add3A_83, %mul3A_84 : i32
        %get3A_86 = arith.index_cast %mul3A_85 : i32 to index
        %get3A_87 = tpu.vector_load %arg15[%get3A_86] {strides = array<i32>} : memref<2048xf32, #tpu.memory_space<vmem>>, vector<16xf32>,
        %min3A_88 = arith.minimumf %min3A_79, %get3A_87 : vector<16xf32>
        %mul3A_89 = arith.constant 8 : i32
        %mul3A_90 = arith.muli %scan3A_62, %mul3A_89 : i32
        %add3A_91 = arith.constant 3 : i32
        %add3A_92 = arith.addi %mul3A_90, %add3A_91 : i32
        %mul3A_93 = arith.constant 16 : i32
        %mul3A_94 = arith.muli %add3A_92, %mul3A_93 : i32
        %get3A_95 = arith.index_cast %mul3A_94 : i32 to index
        %get3A_96 = tpu.vector_load %arg15[%get3A_95] {strides = array<i32>} : memref<2048xf32, #tpu.memory_space<vmem>>, vector<16xf32>,
        %min3A_97 = arith.minimumf %min3A_88, %get3A_96 : vector<16xf32>
        %mul3A_98 = arith.constant 8 : i32
        %mul3A_99 = arith.muli %scan3A_62, %mul3A_98 : i32
        %add3A_100 = arith.constant 4 : i32
        %add3A_101 = arith.addi %mul3A_99, %add3A_100 : i32
        %mul3A_102 = arith.constant 16 : i32
        %mul3A_103 = arith.muli %add3A_101, %mul3A_102 : i32
        %get3A_104 = arith.index_cast %mul3A_103 : i32 to index
        %get3A_105 = tpu.vector_load %arg15[%get3A_104] {strides = array<i32>} : memref<2048xf32, #tpu.memory_space<vmem>>, vector<16xf32>,
        %min3A_106 = arith.minimumf %min3A_97, %get3A_105 : vector<16xf32>
        %mul3A_107 = arith.constant 8 : i32
        %mul3A_108 = arith.muli %scan3A_62, %mul3A_107 : i32
        %add3A_109 = arith.constant 5 : i32
        %add3A_110 = arith.addi %mul3A_108, %add3A_109 : i32
        %mul3A_111 = arith.constant 16 : i32
        %mul3A_112 = arith.muli %add3A_110, %mul3A_111 : i32
        %get3A_113 = arith.index_cast %mul3A_112 : i32 to index
        %get3A_114 = tpu.vector_load %arg15[%get3A_113] {strides = array<i32>} : memref<2048xf32, #tpu.memory_space<vmem>>, vector<16xf32>,
        %min3A_115 = arith.minimumf %min3A_106, %get3A_114 : vector<16xf32>
        %mul3A_116 = arith.constant 8 : i32
        %mul3A_117 = arith.muli %scan3A_62, %mul3A_116 : i32
        %add3A_118 = arith.constant 6 : i32
        %add3A_119 = arith.addi %mul3A_117, %add3A_118 : i32
        %mul3A_120 = arith.constant 16 : i32
        %mul3A_121 = arith.muli %add3A_119, %mul3A_120 : i32
        %get3A_122 = arith.index_cast %mul3A_121 : i32 to index
        %get3A_123 = tpu.vector_load %arg15[%get3A_122] {strides = array<i32>} : memref<2048xf32, #tpu.memory_space<vmem>>, vector<16xf32>,
        %min3A_124 = arith.minimumf %min3A_115, %get3A_123 : vector<16xf32>
        %mul3A_125 = arith.constant 8 : i32
        %mul3A_126 = arith.muli %scan3A_62, %mul3A_125 : i32
        %add3A_127 = arith.constant 7 : i32
        %add3A_128 = arith.addi %mul3A_126, %add3A_127 : i32
        %mul3A_129 = arith.constant 16 : i32
        %mul3A_130 = arith.muli %add3A_128, %mul3A_129 : i32
        %get3A_131 = arith.index_cast %mul3A_130 : i32 to index
        %get3A_132 = tpu.vector_load %arg15[%get3A_131] {strides = array<i32>} : memref<2048xf32, #tpu.memory_space<vmem>>, vector<16xf32>,
        %min3A_133 = arith.minimumf %min3A_124, %get3A_132 : vector<16xf32>
        %mul3A_134 = arith.constant 16 : i32
        %mul3A_135 = arith.muli %scan3A_62, %mul3A_134 : i32
        %swap3A = arith.index_cast %mul3A_135 : i32 to index
        %swap3A_136 = tpu.vector_load %arg16[%swap3A] {strides = array<i32>} : memref<256xf32, #tpu.memory_space<vmem>>, vector<16xf32>,
        tpu.vector_store %arg16[%swap3A], %min3A_133 {strides = array<i32>} : memref<256xf32, #tpu.memory_space<vmem>>, vector<16xf32>,
      }
      %scan3A_56 = arith.constant 16 : i32
      %scan3A_57 = arith.constant 0 : i32
      %scan3A_58 = arith.constant 19 : i32
      %scan3A_59 = arith.addi %scan3A_57, %scan3A_58 : i32
      %scan3A_60 = arith.constant 1 : i32
      scf.for %scan3A_62 = %scan3A_57 to %scan3A_59 step %scan3A_60  : i32 {
        %get3A_63 = arith.constant 0 : index
        %get3A_64 = tpu.vector_load %arg16[%get3A_63] {strides = array<i32>} : memref<256xf32, #tpu.memory_space<vmem>>, vector<16xf32>,
        %broadcast_in_dim3A_65 = arith.constant 0 : i32
        %broadcast_in_dim3A_66 = vector.broadcast %broadcast_in_dim3A_65 : i32 to vector<16xi32>
        %get3A_67 = arith.constant 16 : index
        %get3A_68 = tpu.vector_load %arg16[%get3A_67] {strides = array<i32>} : memref<256xf32, #tpu.memory_space<vmem>>, vector<16xf32>,
        %lt3A = arith.cmpf olt, %get3A_68, %get3A_64 : vector<16xf32>
        %select_n3A = arith.select %lt3A, %get3A_68, %get3A_64 : vector<16xi1>, vector<16xf32>
        %broadcast_in_dim3A_69 = arith.constant 1 : i32
        %broadcast_in_dim3A_70 = vector.broadcast %broadcast_in_dim3A_69 : i32 to vector<16xi32>
        %select_n3A_71 = arith.select %lt3A, %broadcast_in_dim3A_70, %broadcast_in_dim3A_66 : vector<16xi1>, vector<16xi32>
        %get3A_72 = arith.constant 32 : index
        %get3A_73 = tpu.vector_load %arg16[%get3A_72] {strides = array<i32>} : memref<256xf32, #tpu.memory_space<vmem>>, vector<16xf32>,
        %lt3A_74 = arith.cmpf olt, %get3A_73, %select_n3A : vector<16xf32>
        %select_n3A_75 = arith.select %lt3A_74, %get3A_73, %select_n3A : vector<16xi1>, vector<16xf32>
        %broadcast_in_dim3A_76 = arith.constant 2 : i32
        %broadcast_in_dim3A_77 = vector.broadcast %broadcast_in_dim3A_76 : i32 to vector<16xi32>
        %select_n3A_78 = arith.select %lt3A_74, %broadcast_in_dim3A_77, %select_n3A_71 : vector<16xi1>, vector<16xi32>
        %get3A_79 = arith.constant 48 : index
        %get3A_80 = tpu.vector_load %arg16[%get3A_79] {strides = array<i32>} : memref<256xf32, #tpu.memory_space<vmem>>, vector<16xf32>,
        %lt3A_81 = arith.cmpf olt, %get3A_80, %select_n3A_75 : vector<16xf32>
        %select_n3A_82 = arith.select %lt3A_81, %get3A_80, %select_n3A_75 : vector<16xi1>, vector<16xf32>
        %broadcast_in_dim3A_83 = arith.constant 3 : i32
        %broadcast_in_dim3A_84 = vector.broadcast %broadcast_in_dim3A_83 : i32 to vector<16xi32>
        %select_n3A_85 = arith.select %lt3A_81, %broadcast_in_dim3A_84, %select_n3A_78 : vector<16xi1>, vector<16xi32>
        %get3A_86 = arith.constant 64 : index
        %get3A_87 = tpu.vector_load %arg16[%get3A_86] {strides = array<i32>} : memref<256xf32, #tpu.memory_space<vmem>>, vector<16xf32>,
        %broadcast_in_dim3A_88 = arith.constant 4 : i32
        %broadcast_in_dim3A_89 = vector.broadcast %broadcast_in_dim3A_88 : i32 to vector<16xi32>
        %get3A_90 = arith.constant 80 : index
        %get3A_91 = tpu.vector_load %arg16[%get3A_90] {strides = array<i32>} : memref<256xf32, #tpu.memory_space<vmem>>, vector<16xf32>,
        %lt3A_92 = arith.cmpf olt, %get3A_91, %get3A_87 : vector<16xf32>
        %select_n3A_93 = arith.select %lt3A_92, %get3A_91, %get3A_87 : vector<16xi1>, vector<16xf32>
        %broadcast_in_dim3A_94 = arith.constant 5 : i32
        %broadcast_in_dim3A_95 = vector.broadcast %broadcast_in_dim3A_94 : i32 to vector<16xi32>
        %select_n3A_96 = arith.select %lt3A_92, %broadcast_in_dim3A_95, %broadcast_in_dim3A_89 : vector<16xi1>, vector<16xi32>
        %get3A_97 = arith.constant 96 : index
        %get3A_98 = tpu.vector_load %arg16[%get3A_97] {strides = array<i32>} : memref<256xf32, #tpu.memory_space<vmem>>, vector<16xf32>,
        %lt3A_99 = arith.cmpf olt, %get3A_98, %select_n3A_93 : vector<16xf32>
        %select_n3A_100 = arith.select %lt3A_99, %get3A_98, %select_n3A_93 : vector<16xi1>, vector<16xf32>
        %broadcast_in_dim3A_101 = arith.constant 6 : i32
        %broadcast_in_dim3A_102 = vector.broadcast %broadcast_in_dim3A_101 : i32 to vector<16xi32>
        %select_n3A_103 = arith.select %lt3A_99, %broadcast_in_dim3A_102, %select_n3A_96 : vector<16xi1>, vector<16xi32>
        %get3A_104 = arith.constant 112 : index
        %get3A_105 = tpu.vector_load %arg16[%get3A_104] {strides = array<i32>} : memref<256xf32, #tpu.memory_space<vmem>>, vector<16xf32>,
        %lt3A_106 = arith.cmpf olt, %get3A_105, %select_n3A_100 : vector<16xf32>
        %select_n3A_107 = arith.select %lt3A_106, %get3A_105, %select_n3A_100 : vector<16xi1>, vector<16xf32>
        %broadcast_in_dim3A_108 = arith.constant 7 : i32
        %broadcast_in_dim3A_109 = vector.broadcast %broadcast_in_dim3A_108 : i32 to vector<16xi32>
        %select_n3A_110 = arith.select %lt3A_106, %broadcast_in_dim3A_109, %select_n3A_103 : vector<16xi1>, vector<16xi32>
        %get3A_111 = arith.constant 128 : index
        %get3A_112 = tpu.vector_load %arg16[%get3A_111] {strides = array<i32>} : memref<256xf32, #tpu.memory_space<vmem>>, vector<16xf32>,
        %broadcast_in_dim3A_113 = arith.constant 8 : i32
        %broadcast_in_dim3A_114 = vector.broadcast %broadcast_in_dim3A_113 : i32 to vector<16xi32>
        %get3A_115 = arith.constant 144 : index
        %get3A_116 = tpu.vector_load %arg16[%get3A_115] {strides = array<i32>} : memref<256xf32, #tpu.memory_space<vmem>>, vector<16xf32>,
        %lt3A_117 = arith.cmpf olt, %get3A_116, %get3A_112 : vector<16xf32>
        %select_n3A_118 = arith.select %lt3A_117, %get3A_116, %get3A_112 : vector<16xi1>, vector<16xf32>
        %broadcast_in_dim3A_119 = arith.constant 9 : i32
        %broadcast_in_dim3A_120 = vector.broadcast %broadcast_in_dim3A_119 : i32 to vector<16xi32>
        %select_n3A_121 = arith.select %lt3A_117, %broadcast_in_dim3A_120, %broadcast_in_dim3A_114 : vector<16xi1>, vector<16xi32>
        %get3A_122 = arith.constant 160 : index
        %get3A_123 = tpu.vector_load %arg16[%get3A_122] {strides = array<i32>} : memref<256xf32, #tpu.memory_space<vmem>>, vector<16xf32>,
        %lt3A_124 = arith.cmpf olt, %get3A_123, %select_n3A_118 : vector<16xf32>
        %select_n3A_125 = arith.select %lt3A_124, %get3A_123, %select_n3A_118 : vector<16xi1>, vector<16xf32>
        %broadcast_in_dim3A_126 = arith.constant 10 : i32
        %broadcast_in_dim3A_127 = vector.broadcast %broadcast_in_dim3A_126 : i32 to vector<16xi32>
        %select_n3A_128 = arith.select %lt3A_124, %broadcast_in_dim3A_127, %select_n3A_121 : vector<16xi1>, vector<16xi32>
        %get3A_129 = arith.constant 176 : index
        %get3A_130 = tpu.vector_load %arg16[%get3A_129] {strides = array<i32>} : memref<256xf32, #tpu.memory_space<vmem>>, vector<16xf32>,
        %lt3A_131 = arith.cmpf olt, %get3A_130, %select_n3A_125 : vector<16xf32>
        %select_n3A_132 = arith.select %lt3A_131, %get3A_130, %select_n3A_125 : vector<16xi1>, vector<16xf32>
        %broadcast_in_dim3A_133 = arith.constant 11 : i32
        %broadcast_in_dim3A_134 = vector.broadcast %broadcast_in_dim3A_133 : i32 to vector<16xi32>
        %select_n3A_135 = arith.select %lt3A_131, %broadcast_in_dim3A_134, %select_n3A_128 : vector<16xi1>, vector<16xi32>
        %get3A_136 = arith.constant 192 : index
        %get3A_137 = tpu.vector_load %arg16[%get3A_136] {strides = array<i32>} : memref<256xf32, #tpu.memory_space<vmem>>, vector<16xf32>,
        %broadcast_in_dim3A_138 = arith.constant 12 : i32
        %broadcast_in_dim3A_139 = vector.broadcast %broadcast_in_dim3A_138 : i32 to vector<16xi32>
        %get3A_140 = arith.constant 208 : index
        %get3A_141 = tpu.vector_load %arg16[%get3A_140] {strides = array<i32>} : memref<256xf32, #tpu.memory_space<vmem>>, vector<16xf32>,
        %lt3A_142 = arith.cmpf olt, %get3A_141, %get3A_137 : vector<16xf32>
        %select_n3A_143 = arith.select %lt3A_142, %get3A_141, %get3A_137 : vector<16xi1>, vector<16xf32>
        %broadcast_in_dim3A_144 = arith.constant 13 : i32
        %broadcast_in_dim3A_145 = vector.broadcast %broadcast_in_dim3A_144 : i32 to vector<16xi32>
        %select_n3A_146 = arith.select %lt3A_142, %broadcast_in_dim3A_145, %broadcast_in_dim3A_139 : vector<16xi1>, vector<16xi32>
        %get3A_147 = arith.constant 224 : index
        %get3A_148 = tpu.vector_load %arg16[%get3A_147] {strides = array<i32>} : memref<256xf32, #tpu.memory_space<vmem>>, vector<16xf32>,
        %lt3A_149 = arith.cmpf olt, %get3A_148, %select_n3A_143 : vector<16xf32>
        %select_n3A_150 = arith.select %lt3A_149, %get3A_148, %select_n3A_143 : vector<16xi1>, vector<16xf32>
        %broadcast_in_dim3A_151 = arith.constant 14 : i32
        %broadcast_in_dim3A_152 = vector.broadcast %broadcast_in_dim3A_151 : i32 to vector<16xi32>
        %select_n3A_153 = arith.select %lt3A_149, %broadcast_in_dim3A_152, %select_n3A_146 : vector<16xi1>, vector<16xi32>
        %get3A_154 = arith.constant 240 : index
        %get3A_155 = tpu.vector_load %arg16[%get3A_154] {strides = array<i32>} : memref<256xf32, #tpu.memory_space<vmem>>, vector<16xf32>,
        %lt3A_156 = arith.cmpf olt, %get3A_155, %select_n3A_150 : vector<16xf32>
        %select_n3A_157 = arith.select %lt3A_156, %get3A_155, %select_n3A_150 : vector<16xi1>, vector<16xf32>
        %broadcast_in_dim3A_158 = arith.constant 15 : i32
        %broadcast_in_dim3A_159 = vector.broadcast %broadcast_in_dim3A_158 : i32 to vector<16xi32>
        %select_n3A_160 = arith.select %lt3A_156, %broadcast_in_dim3A_159, %select_n3A_153 : vector<16xi1>, vector<16xi32>
        %lt3A_161 = arith.cmpf olt, %select_n3A_107, %select_n3A_82 : vector<16xf32>
        %select_n3A_162 = arith.select %lt3A_161, %select_n3A_107, %select_n3A_82 : vector<16xi1>, vector<16xf32>
        %select_n3A_163 = arith.select %lt3A_161, %select_n3A_110, %select_n3A_85 : vector<16xi1>, vector<16xi32>
        %lt3A_164 = arith.cmpf olt, %select_n3A_132, %select_n3A_162 : vector<16xf32>
        %select_n3A_165 = arith.select %lt3A_164, %select_n3A_132, %select_n3A_162 : vector<16xi1>, vector<16xf32>
        %select_n3A_166 = arith.select %lt3A_164, %select_n3A_135, %select_n3A_163 : vector<16xi1>, vector<16xi32>
        %lt3A_167 = arith.cmpf olt, %select_n3A_157, %select_n3A_165 : vector<16xf32>
        %select_n3A_168 = arith.select %lt3A_167, %select_n3A_157, %select_n3A_165 : vector<16xi1>, vector<16xf32>
        %select_n3A_169 = arith.select %lt3A_167, %select_n3A_160, %select_n3A_166 : vector<16xi1>, vector<16xi32>
        %mul3A_170 = arith.constant 8 : i32
        %mul3A_171 = vector.broadcast %mul3A_170 : i32 to vector<16xi32>
        %mul3A_172 = arith.muli %select_n3A_169, %mul3A_171 : vector<16xi32>
        %mul3A_173 = arith.constant 16 : i32
        %mul3A_174 = vector.broadcast %mul3A_173 : i32 to vector<16xi32>
        %mul3A_175 = arith.muli %mul3A_172, %mul3A_174 : vector<16xi32>
        %add3A_176 = arith.addi %mul3A_175, %iota3A : vector<16xi32>
        %gather3A_177 = tpu.vector_load_idx %arg15[%add3A_176] : memref<2048xf32, #tpu.memory_space<vmem>>[vector<16xi32>], vector<16xf32>,
        %add3A_178 = arith.constant 1 : i32
        %add3A_179 = vector.broadcast %add3A_178 : i32 to vector<16xi32>
        %add3A_180 = arith.addi %mul3A_172, %add3A_179 : vector<16xi32>
        %mul3A_181 = arith.constant 16 : i32
        %mul3A_182 = vector.broadcast %mul3A_181 : i32 to vector<16xi32>
        %mul3A_183 = arith.muli %add3A_180, %mul3A_182 : vector<16xi32>
        %add3A_184 = arith.addi %mul3A_183, %iota3A : vector<16xi32>
        %gather3A_185 = tpu.vector_load_idx %arg15[%add3A_184] : memref<2048xf32, #tpu.memory_space<vmem>>[vector<16xi32>], vector<16xf32>,
        %lt3A_186 = arith.cmpf olt, %gather3A_185, %gather3A_177 : vector<16xf32>
        %select_n3A_187 = arith.select %lt3A_186, %gather3A_185, %gather3A_177 : vector<16xi1>, vector<16xf32>
        %add3A_188 = arith.constant 1 : i32
        %add3A_189 = vector.broadcast %add3A_188 : i32 to vector<16xi32>
        %add3A_190 = arith.addi %mul3A_172, %add3A_189 : vector<16xi32>
        %select_n3A_191 = arith.select %lt3A_186, %add3A_190, %mul3A_172 : vector<16xi1>, vector<16xi32>
        %add3A_192 = arith.constant 2 : i32
        %add3A_193 = vector.broadcast %add3A_192 : i32 to vector<16xi32>
        %add3A_194 = arith.addi %mul3A_172, %add3A_193 : vector<16xi32>
        %mul3A_195 = arith.constant 16 : i32
        %mul3A_196 = vector.broadcast %mul3A_195 : i32 to vector<16xi32>
        %mul3A_197 = arith.muli %add3A_194, %mul3A_196 : vector<16xi32>
        %add3A_198 = arith.addi %mul3A_197, %iota3A : vector<16xi32>
        %gather3A_199 = tpu.vector_load_idx %arg15[%add3A_198] : memref<2048xf32, #tpu.memory_space<vmem>>[vector<16xi32>], vector<16xf32>,
        %lt3A_200 = arith.cmpf olt, %gather3A_199, %select_n3A_187 : vector<16xf32>
        %select_n3A_201 = arith.select %lt3A_200, %gather3A_199, %select_n3A_187 : vector<16xi1>, vector<16xf32>
        %add3A_202 = arith.constant 2 : i32
        %add3A_203 = vector.broadcast %add3A_202 : i32 to vector<16xi32>
        %add3A_204 = arith.addi %mul3A_172, %add3A_203 : vector<16xi32>
        %select_n3A_205 = arith.select %lt3A_200, %add3A_204, %select_n3A_191 : vector<16xi1>, vector<16xi32>
        %add3A_206 = arith.constant 3 : i32
        %add3A_207 = vector.broadcast %add3A_206 : i32 to vector<16xi32>
        %add3A_208 = arith.addi %mul3A_172, %add3A_207 : vector<16xi32>
        %mul3A_209 = arith.constant 16 : i32
        %mul3A_210 = vector.broadcast %mul3A_209 : i32 to vector<16xi32>
        %mul3A_211 = arith.muli %add3A_208, %mul3A_210 : vector<16xi32>
        %add3A_212 = arith.addi %mul3A_211, %iota3A : vector<16xi32>
        %gather3A_213 = tpu.vector_load_idx %arg15[%add3A_212] : memref<2048xf32, #tpu.memory_space<vmem>>[vector<16xi32>], vector<16xf32>,
        %lt3A_214 = arith.cmpf olt, %gather3A_213, %select_n3A_201 : vector<16xf32>
        %select_n3A_215 = arith.select %lt3A_214, %gather3A_213, %select_n3A_201 : vector<16xi1>, vector<16xf32>
        %add3A_216 = arith.constant 3 : i32
        %add3A_217 = vector.broadcast %add3A_216 : i32 to vector<16xi32>
        %add3A_218 = arith.addi %mul3A_172, %add3A_217 : vector<16xi32>
        %select_n3A_219 = arith.select %lt3A_214, %add3A_218, %select_n3A_205 : vector<16xi1>, vector<16xi32>
        %add3A_220 = arith.constant 4 : i32
        %add3A_221 = vector.broadcast %add3A_220 : i32 to vector<16xi32>
        %add3A_222 = arith.addi %mul3A_172, %add3A_221 : vector<16xi32>
        %mul3A_223 = arith.constant 16 : i32
        %mul3A_224 = vector.broadcast %mul3A_223 : i32 to vector<16xi32>
        %mul3A_225 = arith.muli %add3A_222, %mul3A_224 : vector<16xi32>
        %add3A_226 = arith.addi %mul3A_225, %iota3A : vector<16xi32>
        %gather3A_227 = tpu.vector_load_idx %arg15[%add3A_226] : memref<2048xf32, #tpu.memory_space<vmem>>[vector<16xi32>], vector<16xf32>,
        %lt3A_228 = arith.cmpf olt, %gather3A_227, %select_n3A_215 : vector<16xf32>
        %select_n3A_229 = arith.select %lt3A_228, %gather3A_227, %select_n3A_215 : vector<16xi1>, vector<16xf32>
        %add3A_230 = arith.constant 4 : i32
        %add3A_231 = vector.broadcast %add3A_230 : i32 to vector<16xi32>
        %add3A_232 = arith.addi %mul3A_172, %add3A_231 : vector<16xi32>
        %select_n3A_233 = arith.select %lt3A_228, %add3A_232, %select_n3A_219 : vector<16xi1>, vector<16xi32>
        %add3A_234 = arith.constant 5 : i32
        %add3A_235 = vector.broadcast %add3A_234 : i32 to vector<16xi32>
        %add3A_236 = arith.addi %mul3A_172, %add3A_235 : vector<16xi32>
        %mul3A_237 = arith.constant 16 : i32
        %mul3A_238 = vector.broadcast %mul3A_237 : i32 to vector<16xi32>
        %mul3A_239 = arith.muli %add3A_236, %mul3A_238 : vector<16xi32>
        %add3A_240 = arith.addi %mul3A_239, %iota3A : vector<16xi32>
        %gather3A_241 = tpu.vector_load_idx %arg15[%add3A_240] : memref<2048xf32, #tpu.memory_space<vmem>>[vector<16xi32>], vector<16xf32>,
        %lt3A_242 = arith.cmpf olt, %gather3A_241, %select_n3A_229 : vector<16xf32>
        %select_n3A_243 = arith.select %lt3A_242, %gather3A_241, %select_n3A_229 : vector<16xi1>, vector<16xf32>
        %add3A_244 = arith.constant 5 : i32
        %add3A_245 = vector.broadcast %add3A_244 : i32 to vector<16xi32>
        %add3A_246 = arith.addi %mul3A_172, %add3A_245 : vector<16xi32>
        %select_n3A_247 = arith.select %lt3A_242, %add3A_246, %select_n3A_233 : vector<16xi1>, vector<16xi32>
        %add3A_248 = arith.constant 6 : i32
        %add3A_249 = vector.broadcast %add3A_248 : i32 to vector<16xi32>
        %add3A_250 = arith.addi %mul3A_172, %add3A_249 : vector<16xi32>
        %mul3A_251 = arith.constant 16 : i32
        %mul3A_252 = vector.broadcast %mul3A_251 : i32 to vector<16xi32>
        %mul3A_253 = arith.muli %add3A_250, %mul3A_252 : vector<16xi32>
        %add3A_254 = arith.addi %mul3A_253, %iota3A : vector<16xi32>
        %gather3A_255 = tpu.vector_load_idx %arg15[%add3A_254] : memref<2048xf32, #tpu.memory_space<vmem>>[vector<16xi32>], vector<16xf32>,
        %lt3A_256 = arith.cmpf olt, %gather3A_255, %select_n3A_243 : vector<16xf32>
        %select_n3A_257 = arith.select %lt3A_256, %gather3A_255, %select_n3A_243 : vector<16xi1>, vector<16xf32>
        %add3A_258 = arith.constant 6 : i32
        %add3A_259 = vector.broadcast %add3A_258 : i32 to vector<16xi32>
        %add3A_260 = arith.addi %mul3A_172, %add3A_259 : vector<16xi32>
        %select_n3A_261 = arith.select %lt3A_256, %add3A_260, %select_n3A_247 : vector<16xi1>, vector<16xi32>
        %add3A_262 = arith.constant 7 : i32
        %add3A_263 = vector.broadcast %add3A_262 : i32 to vector<16xi32>
        %add3A_264 = arith.addi %mul3A_172, %add3A_263 : vector<16xi32>
        %mul3A_265 = arith.constant 16 : i32
        %mul3A_266 = vector.broadcast %mul3A_265 : i32 to vector<16xi32>
        %mul3A_267 = arith.muli %add3A_264, %mul3A_266 : vector<16xi32>
        %add3A_268 = arith.addi %mul3A_267, %iota3A : vector<16xi32>
        %gather3A_269 = tpu.vector_load_idx %arg15[%add3A_268] : memref<2048xf32, #tpu.memory_space<vmem>>[vector<16xi32>], vector<16xf32>,
        %lt3A_270 = arith.cmpf olt, %gather3A_269, %select_n3A_257 : vector<16xf32>
        %select_n3A_271 = arith.select %lt3A_270, %gather3A_269, %select_n3A_257 : vector<16xi1>, vector<16xf32>
        %add3A_272 = arith.constant 7 : i32
        %add3A_273 = vector.broadcast %add3A_272 : i32 to vector<16xi32>
        %add3A_274 = arith.addi %mul3A_172, %add3A_273 : vector<16xi32>
        %select_n3A_275 = arith.select %lt3A_270, %add3A_274, %select_n3A_261 : vector<16xi1>, vector<16xi32>
        %mul3A_276 = arith.constant 16 : i32
        %mul3A_277 = vector.broadcast %mul3A_276 : i32 to vector<16xi32>
        %mul3A_278 = arith.muli %select_n3A_275, %mul3A_277 : vector<16xi32>
        %add3A_279 = arith.constant 0 : i32
        %add3A_280 = vector.broadcast %add3A_279 : i32 to vector<16xi32>
        %add3A_281 = arith.addi %mul3A_278, %add3A_280 : vector<16xi32>
        %gather3A_282 = tpu.vector_load_idx %arg14[%iota3A, %add3A_281] : memref<16x2048xf32, #tpu.memory_space<vmem>>[vector<16xi32>, vector<16xi32>], vector<16xf32>,
        %add3A_283 = arith.constant 1 : i32
        %add3A_284 = vector.broadcast %add3A_283 : i32 to vector<16xi32>
        %add3A_285 = arith.addi %mul3A_278, %add3A_284 : vector<16xi32>
        %gather3A_286 = tpu.vector_load_idx %arg14[%iota3A, %add3A_285] : memref<16x2048xf32, #tpu.memory_space<vmem>>[vector<16xi32>, vector<16xi32>], vector<16xf32>,
        %add3A_287 = arith.constant 2 : i32
        %add3A_288 = vector.broadcast %add3A_287 : i32 to vector<16xi32>
        %add3A_289 = arith.addi %mul3A_278, %add3A_288 : vector<16xi32>
        %gather3A_290 = tpu.vector_load_idx %arg14[%iota3A, %add3A_289] : memref<16x2048xf32, #tpu.memory_space<vmem>>[vector<16xi32>, vector<16xi32>], vector<16xf32>,
        %add3A_291 = arith.constant 3 : i32
        %add3A_292 = vector.broadcast %add3A_291 : i32 to vector<16xi32>
        %add3A_293 = arith.addi %mul3A_278, %add3A_292 : vector<16xi32>
        %gather3A_294 = tpu.vector_load_idx %arg14[%iota3A, %add3A_293] : memref<16x2048xf32, #tpu.memory_space<vmem>>[vector<16xi32>, vector<16xi32>], vector<16xf32>,
        %add3A_295 = arith.constant 4 : i32
        %add3A_296 = vector.broadcast %add3A_295 : i32 to vector<16xi32>
        %add3A_297 = arith.addi %mul3A_278, %add3A_296 : vector<16xi32>
        %gather3A_298 = tpu.vector_load_idx %arg14[%iota3A, %add3A_297] : memref<16x2048xf32, #tpu.memory_space<vmem>>[vector<16xi32>, vector<16xi32>], vector<16xf32>,
        %add3A_299 = arith.constant 5 : i32
        %add3A_300 = vector.broadcast %add3A_299 : i32 to vector<16xi32>
        %add3A_301 = arith.addi %mul3A_278, %add3A_300 : vector<16xi32>
        %gather3A_302 = tpu.vector_load_idx %arg14[%iota3A, %add3A_301] : memref<16x2048xf32, #tpu.memory_space<vmem>>[vector<16xi32>, vector<16xi32>], vector<16xf32>,
        %add3A_303 = arith.constant 6 : i32
        %add3A_304 = vector.broadcast %add3A_303 : i32 to vector<16xi32>
        %add3A_305 = arith.addi %mul3A_278, %add3A_304 : vector<16xi32>
        %gather3A_306 = tpu.vector_load_idx %arg14[%iota3A, %add3A_305] : memref<16x2048xf32, #tpu.memory_space<vmem>>[vector<16xi32>, vector<16xi32>], vector<16xf32>,
        %add3A_307 = arith.constant 7 : i32
        %add3A_308 = vector.broadcast %add3A_307 : i32 to vector<16xi32>
        %add3A_309 = arith.addi %mul3A_278, %add3A_308 : vector<16xi32>
        %gather3A_310 = tpu.vector_load_idx %arg14[%iota3A, %add3A_309] : memref<16x2048xf32, #tpu.memory_space<vmem>>[vector<16xi32>, vector<16xi32>], vector<16xf32>,
        %add3A_311 = arith.constant 8 : i32
        %add3A_312 = vector.broadcast %add3A_311 : i32 to vector<16xi32>
        %add3A_313 = arith.addi %mul3A_278, %add3A_312 : vector<16xi32>
        %gather3A_314 = tpu.vector_load_idx %arg14[%iota3A, %add3A_313] : memref<16x2048xf32, #tpu.memory_space<vmem>>[vector<16xi32>, vector<16xi32>], vector<16xf32>,
        %add3A_315 = arith.constant 9 : i32
        %add3A_316 = vector.broadcast %add3A_315 : i32 to vector<16xi32>
        %add3A_317 = arith.addi %mul3A_278, %add3A_316 : vector<16xi32>
        %gather3A_318 = tpu.vector_load_idx %arg14[%iota3A, %add3A_317] : memref<16x2048xf32, #tpu.memory_space<vmem>>[vector<16xi32>, vector<16xi32>], vector<16xf32>,
        %add3A_319 = arith.constant 10 : i32
        %add3A_320 = vector.broadcast %add3A_319 : i32 to vector<16xi32>
        %add3A_321 = arith.addi %mul3A_278, %add3A_320 : vector<16xi32>
        %gather3A_322 = tpu.vector_load_idx %arg14[%iota3A, %add3A_321] : memref<16x2048xf32, #tpu.memory_space<vmem>>[vector<16xi32>, vector<16xi32>], vector<16xf32>,
        %add3A_323 = arith.constant 11 : i32
        %add3A_324 = vector.broadcast %add3A_323 : i32 to vector<16xi32>
        %add3A_325 = arith.addi %mul3A_278, %add3A_324 : vector<16xi32>
        %gather3A_326 = tpu.vector_load_idx %arg14[%iota3A, %add3A_325] : memref<16x2048xf32, #tpu.memory_space<vmem>>[vector<16xi32>, vector<16xi32>], vector<16xf32>,
        %add3A_327 = arith.constant 12 : i32
        %add3A_328 = vector.broadcast %add3A_327 : i32 to vector<16xi32>
        %add3A_329 = arith.addi %mul3A_278, %add3A_328 : vector<16xi32>
        %gather3A_330 = tpu.vector_load_idx %arg14[%iota3A, %add3A_329] : memref<16x2048xf32, #tpu.memory_space<vmem>>[vector<16xi32>, vector<16xi32>], vector<16xf32>,
        %add3A_331 = arith.constant 13 : i32
        %add3A_332 = vector.broadcast %add3A_331 : i32 to vector<16xi32>
        %add3A_333 = arith.addi %mul3A_278, %add3A_332 : vector<16xi32>
        %gather3A_334 = tpu.vector_load_idx %arg14[%iota3A, %add3A_333] : memref<16x2048xf32, #tpu.memory_space<vmem>>[vector<16xi32>, vector<16xi32>], vector<16xf32>,
        %add3A_335 = arith.constant 14 : i32
        %add3A_336 = vector.broadcast %add3A_335 : i32 to vector<16xi32>
        %add3A_337 = arith.addi %mul3A_278, %add3A_336 : vector<16xi32>
        %gather3A_338 = tpu.vector_load_idx %arg14[%iota3A, %add3A_337] : memref<16x2048xf32, #tpu.memory_space<vmem>>[vector<16xi32>, vector<16xi32>], vector<16xf32>,
        %add3A_339 = arith.constant 15 : i32
        %add3A_340 = vector.broadcast %add3A_339 : i32 to vector<16xi32>
        %add3A_341 = arith.addi %mul3A_278, %add3A_340 : vector<16xi32>
        %gather3A_342 = tpu.vector_load_idx %arg14[%iota3A, %add3A_341] : memref<16x2048xf32, #tpu.memory_space<vmem>>[vector<16xi32>, vector<16xi32>], vector<16xf32>,
        %add3A_343 = arith.constant 15 : i32
        %add3A_344 = vector.broadcast %add3A_343 : i32 to vector<16xi32>
        %add3A_345 = arith.addi %mul3A_278, %add3A_344 : vector<16xi32>
        %eq3A = arith.cmpf oeq, %gather3A_342, %select_n3A_271 : vector<16xf32>
        %add3A_346 = arith.constant 15 : i32
        %add3A_347 = vector.broadcast %add3A_346 : i32 to vector<16xi32>
        %add3A_348 = arith.addi %mul3A_278, %add3A_347 : vector<16xi32>
        %select_n3A_349 = arith.select %eq3A, %add3A_348, %add3A_345 : vector<16xi1>, vector<16xi32>
        %eq3A_350 = arith.cmpf oeq, %gather3A_338, %select_n3A_271 : vector<16xf32>
        %add3A_351 = arith.constant 14 : i32
        %add3A_352 = vector.broadcast %add3A_351 : i32 to vector<16xi32>
        %add3A_353 = arith.addi %mul3A_278, %add3A_352 : vector<16xi32>
        %select_n3A_354 = arith.select %eq3A_350, %add3A_353, %select_n3A_349 : vector<16xi1>, vector<16xi32>
        %eq3A_355 = arith.cmpf oeq, %gather3A_334, %select_n3A_271 : vector<16xf32>
        %add3A_356 = arith.constant 13 : i32
        %add3A_357 = vector.broadcast %add3A_356 : i32 to vector<16xi32>
        %add3A_358 = arith.addi %mul3A_278, %add3A_357 : vector<16xi32>
        %select_n3A_359 = arith.select %eq3A_355, %add3A_358, %select_n3A_354 : vector<16xi1>, vector<16xi32>
        %eq3A_360 = arith.cmpf oeq, %gather3A_330, %select_n3A_271 : vector<16xf32>
        %add3A_361 = arith.constant 12 : i32
        %add3A_362 = vector.broadcast %add3A_361 : i32 to vector<16xi32>
        %add3A_363 = arith.addi %mul3A_278, %add3A_362 : vector<16xi32>
        %select_n3A_364 = arith.select %eq3A_360, %add3A_363, %select_n3A_359 : vector<16xi1>, vector<16xi32>
        %eq3A_365 = arith.cmpf oeq, %gather3A_326, %select_n3A_271 : vector<16xf32>
        %add3A_366 = arith.constant 11 : i32
        %add3A_367 = vector.broadcast %add3A_366 : i32 to vector<16xi32>
        %add3A_368 = arith.addi %mul3A_278, %add3A_367 : vector<16xi32>
        %select_n3A_369 = arith.select %eq3A_365, %add3A_368, %select_n3A_364 : vector<16xi1>, vector<16xi32>
        %eq3A_370 = arith.cmpf oeq, %gather3A_322, %select_n3A_271 : vector<16xf32>
        %add3A_371 = arith.constant 10 : i32
        %add3A_372 = vector.broadcast %add3A_371 : i32 to vector<16xi32>
        %add3A_373 = arith.addi %mul3A_278, %add3A_372 : vector<16xi32>
        %select_n3A_374 = arith.select %eq3A_370, %add3A_373, %select_n3A_369 : vector<16xi1>, vector<16xi32>
        %eq3A_375 = arith.cmpf oeq, %gather3A_318, %select_n3A_271 : vector<16xf32>
        %add3A_376 = arith.constant 9 : i32
        %add3A_377 = vector.broadcast %add3A_376 : i32 to vector<16xi32>
        %add3A_378 = arith.addi %mul3A_278, %add3A_377 : vector<16xi32>
        %select_n3A_379 = arith.select %eq3A_375, %add3A_378, %select_n3A_374 : vector<16xi1>, vector<16xi32>
        %eq3A_380 = arith.cmpf oeq, %gather3A_314, %select_n3A_271 : vector<16xf32>
        %add3A_381 = arith.constant 8 : i32
        %add3A_382 = vector.broadcast %add3A_381 : i32 to vector<16xi32>
        %add3A_383 = arith.addi %mul3A_278, %add3A_382 : vector<16xi32>
        %select_n3A_384 = arith.select %eq3A_380, %add3A_383, %select_n3A_379 : vector<16xi1>, vector<16xi32>
        %eq3A_385 = arith.cmpf oeq, %gather3A_310, %select_n3A_271 : vector<16xf32>
        %add3A_386 = arith.constant 7 : i32
        %add3A_387 = vector.broadcast %add3A_386 : i32 to vector<16xi32>
        %add3A_388 = arith.addi %mul3A_278, %add3A_387 : vector<16xi32>
        %select_n3A_389 = arith.select %eq3A_385, %add3A_388, %select_n3A_384 : vector<16xi1>, vector<16xi32>
        %eq3A_390 = arith.cmpf oeq, %gather3A_306, %select_n3A_271 : vector<16xf32>
        %add3A_391 = arith.constant 6 : i32
        %add3A_392 = vector.broadcast %add3A_391 : i32 to vector<16xi32>
        %add3A_393 = arith.addi %mul3A_278, %add3A_392 : vector<16xi32>
        %select_n3A_394 = arith.select %eq3A_390, %add3A_393, %select_n3A_389 : vector<16xi1>, vector<16xi32>
        %eq3A_395 = arith.cmpf oeq, %gather3A_302, %select_n3A_271 : vector<16xf32>
        %add3A_396 = arith.constant 5 : i32
        %add3A_397 = vector.broadcast %add3A_396 : i32 to vector<16xi32>
        %add3A_398 = arith.addi %mul3A_278, %add3A_397 : vector<16xi32>
        %select_n3A_399 = arith.select %eq3A_395, %add3A_398, %select_n3A_394 : vector<16xi1>, vector<16xi32>
        %eq3A_400 = arith.cmpf oeq, %gather3A_298, %select_n3A_271 : vector<16xf32>
        %add3A_401 = arith.constant 4 : i32
        %add3A_402 = vector.broadcast %add3A_401 : i32 to vector<16xi32>
        %add3A_403 = arith.addi %mul3A_278, %add3A_402 : vector<16xi32>
        %select_n3A_404 = arith.select %eq3A_400, %add3A_403, %select_n3A_399 : vector<16xi1>, vector<16xi32>
        %eq3A_405 = arith.cmpf oeq, %gather3A_294, %select_n3A_271 : vector<16xf32>
        %add3A_406 = arith.constant 3 : i32
        %add3A_407 = vector.broadcast %add3A_406 : i32 to vector<16xi32>
        %add3A_408 = arith.addi %mul3A_278, %add3A_407 : vector<16xi32>
        %select_n3A_409 = arith.select %eq3A_405, %add3A_408, %select_n3A_404 : vector<16xi1>, vector<16xi32>
        %eq3A_410 = arith.cmpf oeq, %gather3A_290, %select_n3A_271 : vector<16xf32>
        %add3A_411 = arith.constant 2 : i32
        %add3A_412 = vector.broadcast %add3A_411 : i32 to vector<16xi32>
        %add3A_413 = arith.addi %mul3A_278, %add3A_412 : vector<16xi32>
        %select_n3A_414 = arith.select %eq3A_410, %add3A_413, %select_n3A_409 : vector<16xi1>, vector<16xi32>
        %eq3A_415 = arith.cmpf oeq, %gather3A_286, %select_n3A_271 : vector<16xf32>
        %add3A_416 = arith.constant 1 : i32
        %add3A_417 = vector.broadcast %add3A_416 : i32 to vector<16xi32>
        %add3A_418 = arith.addi %mul3A_278, %add3A_417 : vector<16xi32>
        %select_n3A_419 = arith.select %eq3A_415, %add3A_418, %select_n3A_414 : vector<16xi1>, vector<16xi32>
        %eq3A_420 = arith.cmpf oeq, %gather3A_282, %select_n3A_271 : vector<16xf32>
        %add3A_421 = arith.constant 0 : i32
        %add3A_422 = vector.broadcast %add3A_421 : i32 to vector<16xi32>
        %add3A_423 = arith.addi %mul3A_278, %add3A_422 : vector<16xi32>
        %select_n3A_424 = arith.select %eq3A_420, %add3A_423, %select_n3A_419 : vector<16xi1>, vector<16xi32>
        tpu.vector_store_idx %arg14[%iota3A, %select_n3A_424], %broadcast_in_dim3A_5 : memref<16x2048xf32, #tpu.memory_space<vmem>>[vector<16xi32>, vector<16xi32>], vector<16xf32>,
        %add3A_425 = arith.constant 0 : i32
        %add3A_426 = vector.broadcast %add3A_425 : i32 to vector<16xi32>
        %add3A_427 = arith.addi %mul3A_278, %add3A_426 : vector<16xi32>
        %eq3A_428 = arith.cmpi eq, %add3A_427, %select_n3A_424 : vector<16xi32>
        %select_n3A_429 = arith.select %eq3A_428, %broadcast_in_dim3A_5, %gather3A_282 : vector<16xi1>, vector<16xf32>
        %min3A = arith.minimumf %broadcast_in_dim3A_5, %select_n3A_429 : vector<16xf32>
        %add3A_430 = arith.constant 1 : i32
        %add3A_431 = vector.broadcast %add3A_430 : i32 to vector<16xi32>
        %add3A_432 = arith.addi %mul3A_278, %add3A_431 : vector<16xi32>
        %eq3A_433 = arith.cmpi eq, %add3A_432, %select_n3A_424 : vector<16xi32>
        %select_n3A_434 = arith.select %eq3A_433, %broadcast_in_dim3A_5, %gather3A_286 : vector<16xi1>, vector<16xf32>
        %min3A_435 = arith.minimumf %min3A, %select_n3A_434 : vector<16xf32>
        %add3A_436 = arith.constant 2 : i32
        %add3A_437 = vector.broadcast %add3A_436 : i32 to vector<16xi32>
        %add3A_438 = arith.addi %mul3A_278, %add3A_437 : vector<16xi32>
        %eq3A_439 = arith.cmpi eq, %add3A_438, %select_n3A_424 : vector<16xi32>
        %select_n3A_440 = arith.select %eq3A_439, %broadcast_in_dim3A_5, %gather3A_290 : vector<16xi1>, vector<16xf32>
        %min3A_441 = arith.minimumf %min3A_435, %select_n3A_440 : vector<16xf32>
        %add3A_442 = arith.constant 3 : i32
        %add3A_443 = vector.broadcast %add3A_442 : i32 to vector<16xi32>
        %add3A_444 = arith.addi %mul3A_278, %add3A_443 : vector<16xi32>
        %eq3A_445 = arith.cmpi eq, %add3A_444, %select_n3A_424 : vector<16xi32>
        %select_n3A_446 = arith.select %eq3A_445, %broadcast_in_dim3A_5, %gather3A_294 : vector<16xi1>, vector<16xf32>
        %min3A_447 = arith.minimumf %min3A_441, %select_n3A_446 : vector<16xf32>
        %add3A_448 = arith.constant 4 : i32
        %add3A_449 = vector.broadcast %add3A_448 : i32 to vector<16xi32>
        %add3A_450 = arith.addi %mul3A_278, %add3A_449 : vector<16xi32>
        %eq3A_451 = arith.cmpi eq, %add3A_450, %select_n3A_424 : vector<16xi32>
        %select_n3A_452 = arith.select %eq3A_451, %broadcast_in_dim3A_5, %gather3A_298 : vector<16xi1>, vector<16xf32>
        %min3A_453 = arith.minimumf %min3A_447, %select_n3A_452 : vector<16xf32>
        %add3A_454 = arith.constant 5 : i32
        %add3A_455 = vector.broadcast %add3A_454 : i32 to vector<16xi32>
        %add3A_456 = arith.addi %mul3A_278, %add3A_455 : vector<16xi32>
        %eq3A_457 = arith.cmpi eq, %add3A_456, %select_n3A_424 : vector<16xi32>
        %select_n3A_458 = arith.select %eq3A_457, %broadcast_in_dim3A_5, %gather3A_302 : vector<16xi1>, vector<16xf32>
        %min3A_459 = arith.minimumf %min3A_453, %select_n3A_458 : vector<16xf32>
        %add3A_460 = arith.constant 6 : i32
        %add3A_461 = vector.broadcast %add3A_460 : i32 to vector<16xi32>
        %add3A_462 = arith.addi %mul3A_278, %add3A_461 : vector<16xi32>
        %eq3A_463 = arith.cmpi eq, %add3A_462, %select_n3A_424 : vector<16xi32>
        %select_n3A_464 = arith.select %eq3A_463, %broadcast_in_dim3A_5, %gather3A_306 : vector<16xi1>, vector<16xf32>
        %min3A_465 = arith.minimumf %min3A_459, %select_n3A_464 : vector<16xf32>
        %add3A_466 = arith.constant 7 : i32
        %add3A_467 = vector.broadcast %add3A_466 : i32 to vector<16xi32>
        %add3A_468 = arith.addi %mul3A_278, %add3A_467 : vector<16xi32>
        %eq3A_469 = arith.cmpi eq, %add3A_468, %select_n3A_424 : vector<16xi32>
        %select_n3A_470 = arith.select %eq3A_469, %broadcast_in_dim3A_5, %gather3A_310 : vector<16xi1>, vector<16xf32>
        %min3A_471 = arith.minimumf %min3A_465, %select_n3A_470 : vector<16xf32>
        %add3A_472 = arith.constant 8 : i32
        %add3A_473 = vector.broadcast %add3A_472 : i32 to vector<16xi32>
        %add3A_474 = arith.addi %mul3A_278, %add3A_473 : vector<16xi32>
        %eq3A_475 = arith.cmpi eq, %add3A_474, %select_n3A_424 : vector<16xi32>
        %select_n3A_476 = arith.select %eq3A_475, %broadcast_in_dim3A_5, %gather3A_314 : vector<16xi1>, vector<16xf32>
        %min3A_477 = arith.minimumf %min3A_471, %select_n3A_476 : vector<16xf32>
        %add3A_478 = arith.constant 9 : i32
        %add3A_479 = vector.broadcast %add3A_478 : i32 to vector<16xi32>
        %add3A_480 = arith.addi %mul3A_278, %add3A_479 : vector<16xi32>
        %eq3A_481 = arith.cmpi eq, %add3A_480, %select_n3A_424 : vector<16xi32>
        %select_n3A_482 = arith.select %eq3A_481, %broadcast_in_dim3A_5, %gather3A_318 : vector<16xi1>, vector<16xf32>
        %min3A_483 = arith.minimumf %min3A_477, %select_n3A_482 : vector<16xf32>
        %add3A_484 = arith.constant 10 : i32
        %add3A_485 = vector.broadcast %add3A_484 : i32 to vector<16xi32>
        %add3A_486 = arith.addi %mul3A_278, %add3A_485 : vector<16xi32>
        %eq3A_487 = arith.cmpi eq, %add3A_486, %select_n3A_424 : vector<16xi32>
        %select_n3A_488 = arith.select %eq3A_487, %broadcast_in_dim3A_5, %gather3A_322 : vector<16xi1>, vector<16xf32>
        %min3A_489 = arith.minimumf %min3A_483, %select_n3A_488 : vector<16xf32>
        %add3A_490 = arith.constant 11 : i32
        %add3A_491 = vector.broadcast %add3A_490 : i32 to vector<16xi32>
        %add3A_492 = arith.addi %mul3A_278, %add3A_491 : vector<16xi32>
        %eq3A_493 = arith.cmpi eq, %add3A_492, %select_n3A_424 : vector<16xi32>
        %select_n3A_494 = arith.select %eq3A_493, %broadcast_in_dim3A_5, %gather3A_326 : vector<16xi1>, vector<16xf32>
        %min3A_495 = arith.minimumf %min3A_489, %select_n3A_494 : vector<16xf32>
        %add3A_496 = arith.constant 12 : i32
        %add3A_497 = vector.broadcast %add3A_496 : i32 to vector<16xi32>
        %add3A_498 = arith.addi %mul3A_278, %add3A_497 : vector<16xi32>
        %eq3A_499 = arith.cmpi eq, %add3A_498, %select_n3A_424 : vector<16xi32>
        %select_n3A_500 = arith.select %eq3A_499, %broadcast_in_dim3A_5, %gather3A_330 : vector<16xi1>, vector<16xf32>
        %min3A_501 = arith.minimumf %min3A_495, %select_n3A_500 : vector<16xf32>
        %add3A_502 = arith.constant 13 : i32
        %add3A_503 = vector.broadcast %add3A_502 : i32 to vector<16xi32>
        %add3A_504 = arith.addi %mul3A_278, %add3A_503 : vector<16xi32>
        %eq3A_505 = arith.cmpi eq, %add3A_504, %select_n3A_424 : vector<16xi32>
        %select_n3A_506 = arith.select %eq3A_505, %broadcast_in_dim3A_5, %gather3A_334 : vector<16xi1>, vector<16xf32>
        %min3A_507 = arith.minimumf %min3A_501, %select_n3A_506 : vector<16xf32>
        %add3A_508 = arith.constant 14 : i32
        %add3A_509 = vector.broadcast %add3A_508 : i32 to vector<16xi32>
        %add3A_510 = arith.addi %mul3A_278, %add3A_509 : vector<16xi32>
        %eq3A_511 = arith.cmpi eq, %add3A_510, %select_n3A_424 : vector<16xi32>
        %select_n3A_512 = arith.select %eq3A_511, %broadcast_in_dim3A_5, %gather3A_338 : vector<16xi1>, vector<16xf32>
        %min3A_513 = arith.minimumf %min3A_507, %select_n3A_512 : vector<16xf32>
        %add3A_514 = arith.constant 15 : i32
        %add3A_515 = vector.broadcast %add3A_514 : i32 to vector<16xi32>
        %add3A_516 = arith.addi %mul3A_278, %add3A_515 : vector<16xi32>
        %eq3A_517 = arith.cmpi eq, %add3A_516, %select_n3A_424 : vector<16xi32>
        %select_n3A_518 = arith.select %eq3A_517, %broadcast_in_dim3A_5, %gather3A_342 : vector<16xi1>, vector<16xf32>
        %min3A_519 = arith.minimumf %min3A_513, %select_n3A_518 : vector<16xf32>
        %mul3A_520 = arith.constant 16 : i32
        %mul3A_521 = vector.broadcast %mul3A_520 : i32 to vector<16xi32>
        %mul3A_522 = arith.muli %select_n3A_275, %mul3A_521 : vector<16xi32>
        %add3A_523 = arith.addi %mul3A_522, %iota3A : vector<16xi32>
        tpu.vector_store_idx %arg15[%add3A_523], %min3A_519 : memref<2048xf32, #tpu.memory_space<vmem>>[vector<16xi32>], vector<16xf32>,
        %add3A_524 = arith.constant 0 : i32
        %add3A_525 = vector.broadcast %add3A_524 : i32 to vector<16xi32>
        %add3A_526 = arith.addi %mul3A_172, %add3A_525 : vector<16xi32>
        %mul3A_527 = arith.constant 16 : i32
        %mul3A_528 = vector.broadcast %mul3A_527 : i32 to vector<16xi32>
        %mul3A_529 = arith.muli %add3A_526, %mul3A_528 : vector<16xi32>
        %add3A_530 = arith.addi %mul3A_529, %iota3A : vector<16xi32>
        %gather3A_531 = tpu.vector_load_idx %arg15[%add3A_530] : memref<2048xf32, #tpu.memory_space<vmem>>[vector<16xi32>], vector<16xf32>,
        %eq3A_532 = arith.cmpi eq, %add3A_526, %select_n3A_275 : vector<16xi32>
        %select_n3A_533 = arith.select %eq3A_532, %min3A_519, %gather3A_531 : vector<16xi1>, vector<16xf32>
        %min3A_534 = arith.minimumf %broadcast_in_dim3A_5, %select_n3A_533 : vector<16xf32>
        %add3A_535 = arith.constant 1 : i32
        %add3A_536 = vector.broadcast %add3A_535 : i32 to vector<16xi32>
        %add3A_537 = arith.addi %mul3A_172, %add3A_536 : vector<16xi32>
        %mul3A_538 = arith.constant 16 : i32
        %mul3A_539 = vector.broadcast %mul3A_538 : i32 to vector<16xi32>
        %mul3A_540 = arith.muli %add3A_537, %mul3A_539 : vector<16xi32>
        %add3A_541 = arith.addi %mul3A_540, %iota3A : vector<16xi32>
        %gather3A_542 = tpu.vector_load_idx %arg15[%add3A_541] : memref<2048xf32, #tpu.memory_space<vmem>>[vector<16xi32>], vector<16xf32>,
        %eq3A_543 = arith.cmpi eq, %add3A_537, %select_n3A_275 : vector<16xi32>
        %select_n3A_544 = arith.select %eq3A_543, %min3A_519, %gather3A_542 : vector<16xi1>, vector<16xf32>
        %min3A_545 = arith.minimumf %min3A_534, %select_n3A_544 : vector<16xf32>
        %add3A_546 = arith.constant 2 : i32
        %add3A_547 = vector.broadcast %add3A_546 : i32 to vector<16xi32>
        %add3A_548 = arith.addi %mul3A_172, %add3A_547 : vector<16xi32>
        %mul3A_549 = arith.constant 16 : i32
        %mul3A_550 = vector.broadcast %mul3A_549 : i32 to vector<16xi32>
        %mul3A_551 = arith.muli %add3A_548, %mul3A_550 : vector<16xi32>
        %add3A_552 = arith.addi %mul3A_551, %iota3A : vector<16xi32>
        %gather3A_553 = tpu.vector_load_idx %arg15[%add3A_552] : memref<2048xf32, #tpu.memory_space<vmem>>[vector<16xi32>], vector<16xf32>,
        %eq3A_554 = arith.cmpi eq, %add3A_548, %select_n3A_275 : vector<16xi32>
        %select_n3A_555 = arith.select %eq3A_554, %min3A_519, %gather3A_553 : vector<16xi1>, vector<16xf32>
        %min3A_556 = arith.minimumf %min3A_545, %select_n3A_555 : vector<16xf32>
        %add3A_557 = arith.constant 3 : i32
        %add3A_558 = vector.broadcast %add3A_557 : i32 to vector<16xi32>
        %add3A_559 = arith.addi %mul3A_172, %add3A_558 : vector<16xi32>
        %mul3A_560 = arith.constant 16 : i32
        %mul3A_561 = vector.broadcast %mul3A_560 : i32 to vector<16xi32>
        %mul3A_562 = arith.muli %add3A_559, %mul3A_561 : vector<16xi32>
        %add3A_563 = arith.addi %mul3A_562, %iota3A : vector<16xi32>
        %gather3A_564 = tpu.vector_load_idx %arg15[%add3A_563] : memref<2048xf32, #tpu.memory_space<vmem>>[vector<16xi32>], vector<16xf32>,
        %eq3A_565 = arith.cmpi eq, %add3A_559, %select_n3A_275 : vector<16xi32>
        %select_n3A_566 = arith.select %eq3A_565, %min3A_519, %gather3A_564 : vector<16xi1>, vector<16xf32>
        %min3A_567 = arith.minimumf %min3A_556, %select_n3A_566 : vector<16xf32>
        %add3A_568 = arith.constant 4 : i32
        %add3A_569 = vector.broadcast %add3A_568 : i32 to vector<16xi32>
        %add3A_570 = arith.addi %mul3A_172, %add3A_569 : vector<16xi32>
        %mul3A_571 = arith.constant 16 : i32
        %mul3A_572 = vector.broadcast %mul3A_571 : i32 to vector<16xi32>
        %mul3A_573 = arith.muli %add3A_570, %mul3A_572 : vector<16xi32>
        %add3A_574 = arith.addi %mul3A_573, %iota3A : vector<16xi32>
        %gather3A_575 = tpu.vector_load_idx %arg15[%add3A_574] : memref<2048xf32, #tpu.memory_space<vmem>>[vector<16xi32>], vector<16xf32>,
        %eq3A_576 = arith.cmpi eq, %add3A_570, %select_n3A_275 : vector<16xi32>
        %select_n3A_577 = arith.select %eq3A_576, %min3A_519, %gather3A_575 : vector<16xi1>, vector<16xf32>
        %min3A_578 = arith.minimumf %min3A_567, %select_n3A_577 : vector<16xf32>
        %add3A_579 = arith.constant 5 : i32
        %add3A_580 = vector.broadcast %add3A_579 : i32 to vector<16xi32>
        %add3A_581 = arith.addi %mul3A_172, %add3A_580 : vector<16xi32>
        %mul3A_582 = arith.constant 16 : i32
        %mul3A_583 = vector.broadcast %mul3A_582 : i32 to vector<16xi32>
        %mul3A_584 = arith.muli %add3A_581, %mul3A_583 : vector<16xi32>
        %add3A_585 = arith.addi %mul3A_584, %iota3A : vector<16xi32>
        %gather3A_586 = tpu.vector_load_idx %arg15[%add3A_585] : memref<2048xf32, #tpu.memory_space<vmem>>[vector<16xi32>], vector<16xf32>,
        %eq3A_587 = arith.cmpi eq, %add3A_581, %select_n3A_275 : vector<16xi32>
        %select_n3A_588 = arith.select %eq3A_587, %min3A_519, %gather3A_586 : vector<16xi1>, vector<16xf32>
        %min3A_589 = arith.minimumf %min3A_578, %select_n3A_588 : vector<16xf32>
        %add3A_590 = arith.constant 6 : i32
        %add3A_591 = vector.broadcast %add3A_590 : i32 to vector<16xi32>
        %add3A_592 = arith.addi %mul3A_172, %add3A_591 : vector<16xi32>
        %mul3A_593 = arith.constant 16 : i32
        %mul3A_594 = vector.broadcast %mul3A_593 : i32 to vector<16xi32>
        %mul3A_595 = arith.muli %add3A_592, %mul3A_594 : vector<16xi32>
        %add3A_596 = arith.addi %mul3A_595, %iota3A : vector<16xi32>
        %gather3A_597 = tpu.vector_load_idx %arg15[%add3A_596] : memref<2048xf32, #tpu.memory_space<vmem>>[vector<16xi32>], vector<16xf32>,
        %eq3A_598 = arith.cmpi eq, %add3A_592, %select_n3A_275 : vector<16xi32>
        %select_n3A_599 = arith.select %eq3A_598, %min3A_519, %gather3A_597 : vector<16xi1>, vector<16xf32>
        %min3A_600 = arith.minimumf %min3A_589, %select_n3A_599 : vector<16xf32>
        %add3A_601 = arith.constant 7 : i32
        %add3A_602 = vector.broadcast %add3A_601 : i32 to vector<16xi32>
        %add3A_603 = arith.addi %mul3A_172, %add3A_602 : vector<16xi32>
        %mul3A_604 = arith.constant 16 : i32
        %mul3A_605 = vector.broadcast %mul3A_604 : i32 to vector<16xi32>
        %mul3A_606 = arith.muli %add3A_603, %mul3A_605 : vector<16xi32>
        %add3A_607 = arith.addi %mul3A_606, %iota3A : vector<16xi32>
        %gather3A_608 = tpu.vector_load_idx %arg15[%add3A_607] : memref<2048xf32, #tpu.memory_space<vmem>>[vector<16xi32>], vector<16xf32>,
        %eq3A_609 = arith.cmpi eq, %add3A_603, %select_n3A_275 : vector<16xi32>
        %select_n3A_610 = arith.select %eq3A_609, %min3A_519, %gather3A_608 : vector<16xi1>, vector<16xf32>
        %min3A_611 = arith.minimumf %min3A_600, %select_n3A_610 : vector<16xf32>
        %mul3A_612 = arith.constant 16 : i32
        %mul3A_613 = vector.broadcast %mul3A_612 : i32 to vector<16xi32>
        %mul3A_614 = arith.muli %select_n3A_169, %mul3A_613 : vector<16xi32>
        %add3A_615 = arith.addi %mul3A_614, %iota3A : vector<16xi32>
        tpu.vector_store_idx %arg16[%add3A_615], %min3A_611 : memref<256xf32, #tpu.memory_space<vmem>>[vector<16xi32>], vector<16xf32>,
        %gather3A_616 = tpu.vector_load_idx %arg10[%select_n3A_424] : memref<2048xf32, #tpu.memory_space<vmem>>[vector<16xi32>], vector<16xf32>,
        %gather3A_617 = tpu.vector_load_idx %arg11[%select_n3A_424] : memref<2048xf32, #tpu.memory_space<vmem>>[vector<16xi32>], vector<16xf32>,
        %gather3A_618 = tpu.vector_load_idx %arg12[%select_n3A_424] : memref<2048xf32, #tpu.memory_space<vmem>>[vector<16xi32>], vector<16xf32>,
        %sub3A = arith.subf %get3A_42, %gather3A_616 : vector<16xf32>
        %abs3A = math.absf %sub3A : vector<16xf32>
        %gt3A = arith.cmpf ogt, %abs3A, %broadcast_in_dim3A_1 : vector<16xf32>
        %sign3A = tpu.bitcast %sub3A : vector<16xf32> -> vector<16xi32>
        %sign3A_619 = arith.constant -2147483648 : i32
        %sign3A_620 = vector.broadcast %sign3A_619 : i32 to vector<16xi32>
        %sign3A_621 = arith.andi %sign3A, %sign3A_620 : vector<16xi32>
        %sign3A_622 = arith.constant 1065353216 : i32
        %sign3A_623 = vector.broadcast %sign3A_622 : i32 to vector<16xi32>
        %sign3A_624 = arith.ori %sign3A_623, %sign3A_621 : vector<16xi32>
        %sign3A_625 = tpu.bitcast %sign3A_624 : vector<16xi32> -> vector<16xf32>
        %sign3A_626 = math.absf %sub3A : vector<16xf32>
        %sign3A_627 = arith.constant 0.000000e+00 : f32
        %sign3A_628 = vector.broadcast %sign3A_627 : f32 to vector<16xf32>
        %sign3A_629 = arith.cmpf ogt, %sign3A_626, %sign3A_628 : vector<16xf32>
        %sign3A_630 = arith.select %sign3A_629, %sign3A_625, %sub3A : vector<16xi1>, vector<16xf32>
        %select_n3A_631 = arith.select %gt3A, %sign3A_630, %broadcast_in_dim3A_3 : vector<16xi1>, vector<16xf32>
        %sub3A_632 = arith.subf %sub3A, %select_n3A_631 : vector<16xf32>
        %sub3A_633 = arith.subf %get3A_44, %gather3A_617 : vector<16xf32>
        %abs3A_634 = math.absf %sub3A_633 : vector<16xf32>
        %gt3A_635 = arith.cmpf ogt, %abs3A_634, %broadcast_in_dim3A_1 : vector<16xf32>
        %sign3A_636 = tpu.bitcast %sub3A_633 : vector<16xf32> -> vector<16xi32>
        %sign3A_637 = arith.constant -2147483648 : i32
        %sign3A_638 = vector.broadcast %sign3A_637 : i32 to vector<16xi32>
        %sign3A_639 = arith.andi %sign3A_636, %sign3A_638 : vector<16xi32>
        %sign3A_640 = arith.constant 1065353216 : i32
        %sign3A_641 = vector.broadcast %sign3A_640 : i32 to vector<16xi32>
        %sign3A_642 = arith.ori %sign3A_641, %sign3A_639 : vector<16xi32>
        %sign3A_643 = tpu.bitcast %sign3A_642 : vector<16xi32> -> vector<16xf32>
        %sign3A_644 = math.absf %sub3A_633 : vector<16xf32>
        %sign3A_645 = arith.constant 0.000000e+00 : f32
        %sign3A_646 = vector.broadcast %sign3A_645 : f32 to vector<16xf32>
        %sign3A_647 = arith.cmpf ogt, %sign3A_644, %sign3A_646 : vector<16xf32>
        %sign3A_648 = arith.select %sign3A_647, %sign3A_643, %sub3A_633 : vector<16xi1>, vector<16xf32>
        %select_n3A_649 = arith.select %gt3A_635, %sign3A_648, %broadcast_in_dim3A_3 : vector<16xi1>, vector<16xf32>
        %sub3A_650 = arith.subf %sub3A_633, %select_n3A_649 : vector<16xf32>
        %sub3A_651 = arith.subf %get3A_46, %gather3A_618 : vector<16xf32>
        %abs3A_652 = math.absf %sub3A_651 : vector<16xf32>
        %gt3A_653 = arith.cmpf ogt, %abs3A_652, %broadcast_in_dim3A_1 : vector<16xf32>
        %sign3A_654 = tpu.bitcast %sub3A_651 : vector<16xf32> -> vector<16xi32>
        %sign3A_655 = arith.constant -2147483648 : i32
        %sign3A_656 = vector.broadcast %sign3A_655 : i32 to vector<16xi32>
        %sign3A_657 = arith.andi %sign3A_654, %sign3A_656 : vector<16xi32>
        %sign3A_658 = arith.constant 1065353216 : i32
        %sign3A_659 = vector.broadcast %sign3A_658 : i32 to vector<16xi32>
        %sign3A_660 = arith.ori %sign3A_659, %sign3A_657 : vector<16xi32>
        %sign3A_661 = tpu.bitcast %sign3A_660 : vector<16xi32> -> vector<16xf32>
        %sign3A_662 = math.absf %sub3A_651 : vector<16xf32>
        %sign3A_663 = arith.constant 0.000000e+00 : f32
        %sign3A_664 = vector.broadcast %sign3A_663 : f32 to vector<16xf32>
        %sign3A_665 = arith.cmpf ogt, %sign3A_662, %sign3A_664 : vector<16xf32>
        %sign3A_666 = arith.select %sign3A_665, %sign3A_661, %sub3A_651 : vector<16xi1>, vector<16xf32>
        %select_n3A_667 = arith.select %gt3A_653, %sign3A_666, %broadcast_in_dim3A_3 : vector<16xi1>, vector<16xf32>
        %sub3A_668 = arith.subf %sub3A_651, %select_n3A_667 : vector<16xf32>
        %bitcast3A = vector.bitcast %sub3A_632 : vector<16xf32> to vector<16xi32>
        %shift_right_arithmetic3A = arith.constant 16 : i32
        %shift_right_arithmetic3A_669 = vector.broadcast %shift_right_arithmetic3A : i32 to vector<16xi32>
        %shift_right_arithmetic3A_670 = arith.shrsi %bitcast3A, %shift_right_arithmetic3A_669 : vector<16xi32>
        %and3A = arith.constant 1 : i32
        %and3A_671 = vector.broadcast %and3A : i32 to vector<16xi32>
        %and3A_672 = arith.andi %shift_right_arithmetic3A_670, %and3A_671 : vector<16xi32>
        %add3A_673 = arith.constant 32767 : i32
        %add3A_674 = vector.broadcast %add3A_673 : i32 to vector<16xi32>
        %add3A_675 = arith.addi %add3A_674, %and3A_672 : vector<16xi32>
        %add3A_676 = arith.addi %bitcast3A, %add3A_675 : vector<16xi32>
        %and3A_677 = arith.constant -65536 : i32
        %and3A_678 = vector.broadcast %and3A_677 : i32 to vector<16xi32>
        %and3A_679 = arith.andi %add3A_676, %and3A_678 : vector<16xi32>
        %bitcast3A_680 = vector.bitcast %and3A_679 : vector<16xi32> to vector<16xf32>
        %bitcast3A_681 = vector.bitcast %sub3A_650 : vector<16xf32> to vector<16xi32>
        %shift_right_arithmetic3A_682 = arith.constant 16 : i32
        %shift_right_arithmetic3A_683 = vector.broadcast %shift_right_arithmetic3A_682 : i32 to vector<16xi32>
        %shift_right_arithmetic3A_684 = arith.shrsi %bitcast3A_681, %shift_right_arithmetic3A_683 : vector<16xi32>
        %and3A_685 = arith.constant 1 : i32
        %and3A_686 = vector.broadcast %and3A_685 : i32 to vector<16xi32>
        %and3A_687 = arith.andi %shift_right_arithmetic3A_684, %and3A_686 : vector<16xi32>
        %add3A_688 = arith.constant 32767 : i32
        %add3A_689 = vector.broadcast %add3A_688 : i32 to vector<16xi32>
        %add3A_690 = arith.addi %add3A_689, %and3A_687 : vector<16xi32>
        %add3A_691 = arith.addi %bitcast3A_681, %add3A_690 : vector<16xi32>
        %and3A_692 = arith.constant -65536 : i32
        %and3A_693 = vector.broadcast %and3A_692 : i32 to vector<16xi32>
        %and3A_694 = arith.andi %add3A_691, %and3A_693 : vector<16xi32>
        %bitcast3A_695 = vector.bitcast %and3A_694 : vector<16xi32> to vector<16xf32>
        %bitcast3A_696 = vector.bitcast %sub3A_668 : vector<16xf32> to vector<16xi32>
        %shift_right_arithmetic3A_697 = arith.constant 16 : i32
        %shift_right_arithmetic3A_698 = vector.broadcast %shift_right_arithmetic3A_697 : i32 to vector<16xi32>
        %shift_right_arithmetic3A_699 = arith.shrsi %bitcast3A_696, %shift_right_arithmetic3A_698 : vector<16xi32>
        %and3A_700 = arith.constant 1 : i32
        %and3A_701 = vector.broadcast %and3A_700 : i32 to vector<16xi32>
        %and3A_702 = arith.andi %shift_right_arithmetic3A_699, %and3A_701 : vector<16xi32>
        %add3A_703 = arith.constant 32767 : i32
        %add3A_704 = vector.broadcast %add3A_703 : i32 to vector<16xi32>
        %add3A_705 = arith.addi %add3A_704, %and3A_702 : vector<16xi32>
        %add3A_706 = arith.addi %bitcast3A_696, %add3A_705 : vector<16xi32>
        %and3A_707 = arith.constant -65536 : i32
        %and3A_708 = vector.broadcast %and3A_707 : i32 to vector<16xi32>
        %and3A_709 = arith.andi %add3A_706, %and3A_708 : vector<16xi32>
        %bitcast3A_710 = vector.bitcast %and3A_709 : vector<16xi32> to vector<16xf32>
        %mul3A_711 = arith.mulf %bitcast3A_680, %gather3A : vector<16xf32>
        %mul3A_712 = arith.mulf %bitcast3A_695, %gather3A_16 : vector<16xf32>
        %add3A_713 = arith.addf %mul3A_711, %mul3A_712 : vector<16xf32>
        %mul3A_714 = arith.mulf %bitcast3A_710, %gather3A_25 : vector<16xf32>
        %add3A_715 = arith.addf %add3A_713, %mul3A_714 : vector<16xf32>
        %mul3A_716 = arith.mulf %bitcast3A_680, %gather3A_10 : vector<16xf32>
        %mul3A_717 = arith.mulf %bitcast3A_695, %gather3A_19 : vector<16xf32>
        %add3A_718 = arith.addf %mul3A_716, %mul3A_717 : vector<16xf32>
        %mul3A_719 = arith.mulf %bitcast3A_710, %gather3A_28 : vector<16xf32>
        %add3A_720 = arith.addf %add3A_718, %mul3A_719 : vector<16xf32>
        %mul3A_721 = arith.mulf %bitcast3A_680, %gather3A_13 : vector<16xf32>
        %mul3A_722 = arith.mulf %bitcast3A_695, %gather3A_22 : vector<16xf32>
        %add3A_723 = arith.addf %mul3A_721, %mul3A_722 : vector<16xf32>
        %mul3A_724 = arith.mulf %bitcast3A_710, %gather3A_31 : vector<16xf32>
        %add3A_725 = arith.addf %add3A_723, %mul3A_724 : vector<16xf32>
        %max3A = arith.maximumf %select_n3A_271, %broadcast_in_dim3A_3 : vector<16xf32>
        %bitcast3A_726 = vector.bitcast %max3A : vector<16xf32> to vector<16xi32>
        %broadcast_in_dim3A_727 = arith.constant 1597463007 : i32
        %broadcast_in_dim3A_728 = vector.broadcast %broadcast_in_dim3A_727 : i32 to vector<16xi32>
        %shift_right_arithmetic3A_729 = arith.constant 1 : i32
        %shift_right_arithmetic3A_730 = vector.broadcast %shift_right_arithmetic3A_729 : i32 to vector<16xi32>
        %shift_right_arithmetic3A_731 = arith.shrsi %bitcast3A_726, %shift_right_arithmetic3A_730 : vector<16xi32>
        %sub3A_732 = arith.subi %broadcast_in_dim3A_728, %shift_right_arithmetic3A_731 : vector<16xi32>
        %bitcast3A_733 = vector.bitcast %sub3A_732 : vector<16xi32> to vector<16xf32>
        %mul3A_734 = arith.constant 5.000000e-01 : f32
        %mul3A_735 = vector.broadcast %mul3A_734 : f32 to vector<16xf32>
        %mul3A_736 = arith.mulf %mul3A_735, %max3A : vector<16xf32>
        %mul3A_737 = arith.mulf %mul3A_736, %bitcast3A_733 : vector<16xf32>
        %mul3A_738 = arith.mulf %mul3A_737, %bitcast3A_733 : vector<16xf32>
        %sub3A_739 = arith.constant 1.500000e+00 : f32
        %sub3A_740 = vector.broadcast %sub3A_739 : f32 to vector<16xf32>
        %sub3A_741 = arith.subf %sub3A_740, %mul3A_738 : vector<16xf32>
        %mul3A_742 = arith.mulf %bitcast3A_733, %sub3A_741 : vector<16xf32>
        %mul3A_743 = arith.mulf %mul3A_736, %mul3A_742 : vector<16xf32>
        %mul3A_744 = arith.mulf %mul3A_743, %mul3A_742 : vector<16xf32>
        %sub3A_745 = arith.constant 1.500000e+00 : f32
        %sub3A_746 = vector.broadcast %sub3A_745 : f32 to vector<16xf32>
        %sub3A_747 = arith.subf %sub3A_746, %mul3A_744 : vector<16xf32>
        %mul3A_748 = arith.mulf %mul3A_742, %sub3A_747 : vector<16xf32>
        %mul3A_749 = arith.mulf %max3A, %mul3A_748 : vector<16xf32>
        %div3A = arith.divf %max3A, %mul3A_749 : vector<16xf32>
        %add3A_750 = arith.addf %mul3A_749, %div3A : vector<16xf32>
        %mul3A_751 = arith.constant 5.000000e-01 : f32
        %mul3A_752 = vector.broadcast %mul3A_751 : f32 to vector<16xf32>
        %mul3A_753 = arith.mulf %mul3A_752, %add3A_750 : vector<16xf32>
        %gt3A_754 = arith.cmpf ogt, %max3A, %broadcast_in_dim3A_3 : vector<16xf32>
        %select_n3A_755 = arith.select %gt3A_754, %mul3A_753, %broadcast_in_dim3A_3 : vector<16xi1>, vector<16xf32>
        %broadcast_in_dim3A_756 = vector.broadcast %scan3A_62 : i32 to vector<16xi32>
        tpu.vector_store_idx %arg17[%iota3A, %broadcast_in_dim3A_756], %select_n3A_424 : memref<16x19xi32, #tpu.memory_space<vmem>>[vector<16xi32>, vector<16xi32>], vector<16xi32>,
        tpu.vector_store_idx %arg18[%iota3A, %broadcast_in_dim3A_756], %select_n3A_755 : memref<16x19xf32, #tpu.memory_space<vmem>>[vector<16xi32>, vector<16xi32>], vector<16xf32>,
        %mul3A_757 = arith.constant 3 : i32
        %mul3A_758 = vector.broadcast %mul3A_757 : i32 to vector<16xi32>
        %mul3A_759 = arith.muli %broadcast_in_dim3A_756, %mul3A_758 : vector<16xi32>
        tpu.vector_store_idx %arg19[%iota3A, %mul3A_759], %add3A_715 : memref<16x57xf32, #tpu.memory_space<vmem>>[vector<16xi32>, vector<16xi32>], vector<16xf32>,
        %add3A_760 = arith.constant 1 : i32
        %add3A_761 = vector.broadcast %add3A_760 : i32 to vector<16xi32>
        %add3A_762 = arith.addi %mul3A_759, %add3A_761 : vector<16xi32>
        tpu.vector_store_idx %arg19[%iota3A, %add3A_762], %add3A_720 : memref<16x57xf32, #tpu.memory_space<vmem>>[vector<16xi32>, vector<16xi32>], vector<16xf32>,
        %add3A_763 = arith.constant 2 : i32
        %add3A_764 = vector.broadcast %add3A_763 : i32 to vector<16xi32>
        %add3A_765 = arith.addi %mul3A_759, %add3A_764 : vector<16xi32>
        tpu.vector_store_idx %arg19[%iota3A, %add3A_765], %add3A_725 : memref<16x57xf32, #tpu.memory_space<vmem>>[vector<16xi32>, vector<16xi32>], vector<16xf32>,
      }
      %scan3A_61 = arith.constant 19 : i32
      "tpu.region"() ({
        %run_scoped3A = tpu.sem_alloc : memref<!tpu.dma_semaphore, #tpu.memory_space<semaphore_mem>>
        %dma_start3A = arith.constant 0 : i32
        %dma_start3A_62 = tpu.memref_slice %arg7[%add3A_41, %dma_start3A] : memref<2048x19xi32, #tpu.memory_space<hbm>> -> memref<16x19xi32, #tpu.memory_space<hbm>>
        %dma_start3A_63 = arith.constant 0 : i32
        %dma_start3A_64 = tpu.memref_slice %arg7[%add3A_41, %dma_start3A_63] : memref<2048x19xi32, #tpu.memory_space<hbm>> -> memref<16x19xi32, #tpu.memory_space<hbm>>
        tpu.enqueue_dma source(%arg17 : memref<16x19xi32, #tpu.memory_space<vmem>>) target(%dma_start3A_64 : memref<16x19xi32, #tpu.memory_space<hbm>>) target_semaphore(%run_scoped3A : memref<!tpu.dma_semaphore, #tpu.memory_space<semaphore_mem>>)
        %dma_wait3A = arith.constant 0 : i32
        %dma_wait3A_65 = tpu.memref_slice %arg7[%add3A_41, %dma_wait3A] : memref<2048x19xi32, #tpu.memory_space<hbm>> -> memref<16x19xi32, #tpu.memory_space<hbm>>
        %dma_wait3A_66 = arith.constant 0 : i32
        %dma_wait3A_67 = tpu.memref_slice %arg7[%add3A_41, %dma_wait3A_66] : memref<2048x19xi32, #tpu.memory_space<hbm>> -> memref<16x19xi32, #tpu.memory_space<hbm>>
        tpu.wait_dma2 semaphore(%run_scoped3A : memref<!tpu.dma_semaphore, #tpu.memory_space<semaphore_mem>>) src(%arg17 : memref<16x19xi32, #tpu.memory_space<vmem>>) dst(%dma_wait3A_67 : memref<16x19xi32, #tpu.memory_space<hbm>>)
        tpu.yield
      }) : () -> ()
      "tpu.region"() ({
        %run_scoped3A = tpu.sem_alloc : memref<!tpu.dma_semaphore, #tpu.memory_space<semaphore_mem>>
        %dma_start3A = arith.constant 0 : i32
        %dma_start3A_62 = tpu.memref_slice %arg8[%add3A_41, %dma_start3A] : memref<2048x19xf32, #tpu.memory_space<hbm>> -> memref<16x19xf32, #tpu.memory_space<hbm>>
        %dma_start3A_63 = arith.constant 0 : i32
        %dma_start3A_64 = tpu.memref_slice %arg8[%add3A_41, %dma_start3A_63] : memref<2048x19xf32, #tpu.memory_space<hbm>> -> memref<16x19xf32, #tpu.memory_space<hbm>>
        tpu.enqueue_dma source(%arg18 : memref<16x19xf32, #tpu.memory_space<vmem>>) target(%dma_start3A_64 : memref<16x19xf32, #tpu.memory_space<hbm>>) target_semaphore(%run_scoped3A : memref<!tpu.dma_semaphore, #tpu.memory_space<semaphore_mem>>)
        %dma_wait3A = arith.constant 0 : i32
        %dma_wait3A_65 = tpu.memref_slice %arg8[%add3A_41, %dma_wait3A] : memref<2048x19xf32, #tpu.memory_space<hbm>> -> memref<16x19xf32, #tpu.memory_space<hbm>>
        %dma_wait3A_66 = arith.constant 0 : i32
        %dma_wait3A_67 = tpu.memref_slice %arg8[%add3A_41, %dma_wait3A_66] : memref<2048x19xf32, #tpu.memory_space<hbm>> -> memref<16x19xf32, #tpu.memory_space<hbm>>
        tpu.wait_dma2 semaphore(%run_scoped3A : memref<!tpu.dma_semaphore, #tpu.memory_space<semaphore_mem>>) src(%arg18 : memref<16x19xf32, #tpu.memory_space<vmem>>) dst(%dma_wait3A_67 : memref<16x19xf32, #tpu.memory_space<hbm>>)
        tpu.yield
      }) : () -> ()
      "tpu.region"() ({
        %run_scoped3A = tpu.sem_alloc : memref<!tpu.dma_semaphore, #tpu.memory_space<semaphore_mem>>
        %dma_start3A = arith.constant 0 : i32
        %dma_start3A_62 = tpu.memref_slice %arg9[%add3A_41, %dma_start3A] : memref<2048x57xf32, #tpu.memory_space<hbm>> -> memref<16x57xf32, #tpu.memory_space<hbm>>
        %dma_start3A_63 = arith.constant 0 : i32
        %dma_start3A_64 = tpu.memref_slice %arg9[%add3A_41, %dma_start3A_63] : memref<2048x57xf32, #tpu.memory_space<hbm>> -> memref<16x57xf32, #tpu.memory_space<hbm>>
        tpu.enqueue_dma source(%arg19 : memref<16x57xf32, #tpu.memory_space<vmem>>) target(%dma_start3A_64 : memref<16x57xf32, #tpu.memory_space<hbm>>) target_semaphore(%run_scoped3A : memref<!tpu.dma_semaphore, #tpu.memory_space<semaphore_mem>>)
        %dma_wait3A = arith.constant 0 : i32
        %dma_wait3A_65 = tpu.memref_slice %arg9[%add3A_41, %dma_wait3A] : memref<2048x57xf32, #tpu.memory_space<hbm>> -> memref<16x57xf32, #tpu.memory_space<hbm>>
        %dma_wait3A_66 = arith.constant 0 : i32
        %dma_wait3A_67 = tpu.memref_slice %arg9[%add3A_41, %dma_wait3A_66] : memref<2048x57xf32, #tpu.memory_space<hbm>> -> memref<16x57xf32, #tpu.memory_space<hbm>>
        tpu.wait_dma2 semaphore(%run_scoped3A : memref<!tpu.dma_semaphore, #tpu.memory_space<semaphore_mem>>) src(%arg19 : memref<16x57xf32, #tpu.memory_space<vmem>>) dst(%dma_wait3A_67 : memref<16x57xf32, #tpu.memory_space<hbm>>)
        tpu.yield
      }) : () -> ()
    }
    %scan3A_35 = arith.constant 4 : i32
    return
  }
}

module attributes {stable_mosaic.version = 14 : i64} {
  func.func @body(%arg0: i32, %arg1: memref<3x3xf32, #tpu.memory_space<smem>>, %arg2: memref<256x1xf32, #tpu.memory_space<vmem>>, %arg3: memref<256x1xf32, #tpu.memory_space<vmem>>, %arg4: memref<256x1xf32, #tpu.memory_space<vmem>>, %arg5: memref<1x2048xf32, #tpu.memory_space<vmem>>, %arg6: memref<1x2048xf32, #tpu.memory_space<vmem>>, %arg7: memref<1x2048xf32, #tpu.memory_space<vmem>>, %arg8: memref<256x2048xf32, #tpu.memory_space<vmem>>) attributes {dimension_semantics = [#tpu.dimension_semantics<arbitrary>], iteration_bounds = array<i64: 8>, scalar_prefetch = 0 : i64, scratch_operands = 0 : i64, tpu.core_type = #tpu.core_type<tc>, window_params = [{transform_indices = @transform_0, window_bounds = array<i64: 3, 3>}, {transform_indices = @transform_1, window_bounds = array<i64: 256, 1>}, {transform_indices = @transform_2, window_bounds = array<i64: 256, 1>}, {transform_indices = @transform_3, window_bounds = array<i64: 256, 1>}, {pipeline_mode = #tpu.pipeline_mode<synchronous>, transform_indices = @transform_4, window_bounds = array<i64: 1, 2048>}, {pipeline_mode = #tpu.pipeline_mode<synchronous>, transform_indices = @transform_5, window_bounds = array<i64: 1, 2048>}, {pipeline_mode = #tpu.pipeline_mode<synchronous>, transform_indices = @transform_6, window_bounds = array<i64: 1, 2048>}, {transform_indices = @transform_7, window_bounds = array<i64: 256, 2048>}]} {
    %get3A = arith.constant 0 : index
    %get3A_0 = arith.constant 0 : index
    %get3A_1 = vector.load %arg2[%get3A, %get3A_0] : memref<256x1xf32, #tpu.memory_space<vmem>>, vector<256x1xf32>
    %get3A_2 = arith.constant 0 : index
    %get3A_3 = arith.constant 0 : index
    %get3A_4 = vector.load %arg5[%get3A_2, %get3A_3] : memref<1x2048xf32, #tpu.memory_space<vmem>>, vector<1x2048xf32>
    %sub3A = vector.broadcast %get3A_1 : vector<256x1xf32> to vector<256x2048xf32>
    %sub3A_5 = vector.broadcast %get3A_4 : vector<1x2048xf32> to vector<256x2048xf32>
    %sub3A_6 = arith.subf %sub3A, %sub3A_5 : vector<256x2048xf32>
    %abs3A = math.absf %sub3A_6 : vector<256x2048xf32>
    %gt3A = arith.constant 5.000000e-01 : f32
    %gt3A_7 = vector.broadcast %gt3A : f32 to vector<256x2048xf32>
    %gt3A_8 = arith.cmpf ogt, %abs3A, %gt3A_7 : vector<256x2048xf32>
    %sign3A = tpu.bitcast %sub3A_6 : vector<256x2048xf32> -> vector<256x2048xi32>
    %sign3A_9 = arith.constant -2147483648 : i32
    %sign3A_10 = vector.broadcast %sign3A_9 : i32 to vector<256x2048xi32>
    %sign3A_11 = arith.andi %sign3A, %sign3A_10 : vector<256x2048xi32>
    %sign3A_12 = arith.constant 1065353216 : i32
    %sign3A_13 = vector.broadcast %sign3A_12 : i32 to vector<256x2048xi32>
    %sign3A_14 = arith.ori %sign3A_13, %sign3A_11 : vector<256x2048xi32>
    %sign3A_15 = tpu.bitcast %sign3A_14 : vector<256x2048xi32> -> vector<256x2048xf32>
    %sign3A_16 = math.absf %sub3A_6 : vector<256x2048xf32>
    %sign3A_17 = arith.constant 0.000000e+00 : f32
    %sign3A_18 = vector.broadcast %sign3A_17 : f32 to vector<256x2048xf32>
    %sign3A_19 = arith.cmpf ogt, %sign3A_16, %sign3A_18 : vector<256x2048xf32>
    %sign3A_20 = arith.select %sign3A_19, %sign3A_15, %sub3A_6 : vector<256x2048xi1>, vector<256x2048xf32>
    %jit3A = arith.constant 0.000000e+00 : f32
    %broadcast_in_dim3A = vector.broadcast %jit3A : f32 to vector<256x2048xf32>
    %select_n3A = arith.select %gt3A_8, %sign3A_20, %broadcast_in_dim3A : vector<256x2048xi1>, vector<256x2048xf32>
    %sub3A_21 = arith.subf %sub3A_6, %select_n3A : vector<256x2048xf32>
    %bitcast_convert_type3A = tpu.bitcast %sub3A_21 : vector<256x2048xf32> -> vector<256x2048xi32>
    %shift_right_arithmetic3A = arith.constant 16 : i32
    %shift_right_arithmetic3A_22 = vector.broadcast %shift_right_arithmetic3A : i32 to vector<256x2048xi32>
    %shift_right_arithmetic3A_23 = arith.shrsi %bitcast_convert_type3A, %shift_right_arithmetic3A_22 : vector<256x2048xi32>
    %and3A = arith.constant 1 : i32
    %and3A_24 = vector.broadcast %and3A : i32 to vector<256x2048xi32>
    %and3A_25 = arith.andi %shift_right_arithmetic3A_23, %and3A_24 : vector<256x2048xi32>
    %add3A = arith.constant 32767 : i32
    %add3A_26 = vector.broadcast %add3A : i32 to vector<256x2048xi32>
    %add3A_27 = arith.addi %add3A_26, %and3A_25 : vector<256x2048xi32>
    %add3A_28 = arith.addi %bitcast_convert_type3A, %add3A_27 : vector<256x2048xi32>
    %and3A_29 = arith.constant -65536 : i32
    %and3A_30 = vector.broadcast %and3A_29 : i32 to vector<256x2048xi32>
    %and3A_31 = arith.andi %add3A_28, %and3A_30 : vector<256x2048xi32>
    %bitcast_convert_type3A_32 = tpu.bitcast %and3A_31 : vector<256x2048xi32> -> vector<256x2048xf32>
    %get3A_33 = arith.constant 0 : index
    %get3A_34 = arith.constant 0 : index
    %get3A_35 = vector.load %arg3[%get3A_33, %get3A_34] : memref<256x1xf32, #tpu.memory_space<vmem>>, vector<256x1xf32>
    %get3A_36 = arith.constant 0 : index
    %get3A_37 = arith.constant 0 : index
    %get3A_38 = vector.load %arg6[%get3A_36, %get3A_37] : memref<1x2048xf32, #tpu.memory_space<vmem>>, vector<1x2048xf32>
    %sub3A_39 = vector.broadcast %get3A_35 : vector<256x1xf32> to vector<256x2048xf32>
    %sub3A_40 = vector.broadcast %get3A_38 : vector<1x2048xf32> to vector<256x2048xf32>
    %sub3A_41 = arith.subf %sub3A_39, %sub3A_40 : vector<256x2048xf32>
    %abs3A_42 = math.absf %sub3A_41 : vector<256x2048xf32>
    %gt3A_43 = arith.constant 5.000000e-01 : f32
    %gt3A_44 = vector.broadcast %gt3A_43 : f32 to vector<256x2048xf32>
    %gt3A_45 = arith.cmpf ogt, %abs3A_42, %gt3A_44 : vector<256x2048xf32>
    %sign3A_46 = tpu.bitcast %sub3A_41 : vector<256x2048xf32> -> vector<256x2048xi32>
    %sign3A_47 = arith.constant -2147483648 : i32
    %sign3A_48 = vector.broadcast %sign3A_47 : i32 to vector<256x2048xi32>
    %sign3A_49 = arith.andi %sign3A_46, %sign3A_48 : vector<256x2048xi32>
    %sign3A_50 = arith.constant 1065353216 : i32
    %sign3A_51 = vector.broadcast %sign3A_50 : i32 to vector<256x2048xi32>
    %sign3A_52 = arith.ori %sign3A_51, %sign3A_49 : vector<256x2048xi32>
    %sign3A_53 = tpu.bitcast %sign3A_52 : vector<256x2048xi32> -> vector<256x2048xf32>
    %sign3A_54 = math.absf %sub3A_41 : vector<256x2048xf32>
    %sign3A_55 = arith.constant 0.000000e+00 : f32
    %sign3A_56 = vector.broadcast %sign3A_55 : f32 to vector<256x2048xf32>
    %sign3A_57 = arith.cmpf ogt, %sign3A_54, %sign3A_56 : vector<256x2048xf32>
    %sign3A_58 = arith.select %sign3A_57, %sign3A_53, %sub3A_41 : vector<256x2048xi1>, vector<256x2048xf32>
    %jit3A_59 = arith.constant 0.000000e+00 : f32
    %broadcast_in_dim3A_60 = vector.broadcast %jit3A_59 : f32 to vector<256x2048xf32>
    %select_n3A_61 = arith.select %gt3A_45, %sign3A_58, %broadcast_in_dim3A_60 : vector<256x2048xi1>, vector<256x2048xf32>
    %sub3A_62 = arith.subf %sub3A_41, %select_n3A_61 : vector<256x2048xf32>
    %bitcast_convert_type3A_63 = tpu.bitcast %sub3A_62 : vector<256x2048xf32> -> vector<256x2048xi32>
    %shift_right_arithmetic3A_64 = arith.constant 16 : i32
    %shift_right_arithmetic3A_65 = vector.broadcast %shift_right_arithmetic3A_64 : i32 to vector<256x2048xi32>
    %shift_right_arithmetic3A_66 = arith.shrsi %bitcast_convert_type3A_63, %shift_right_arithmetic3A_65 : vector<256x2048xi32>
    %and3A_67 = arith.constant 1 : i32
    %and3A_68 = vector.broadcast %and3A_67 : i32 to vector<256x2048xi32>
    %and3A_69 = arith.andi %shift_right_arithmetic3A_66, %and3A_68 : vector<256x2048xi32>
    %add3A_70 = arith.constant 32767 : i32
    %add3A_71 = vector.broadcast %add3A_70 : i32 to vector<256x2048xi32>
    %add3A_72 = arith.addi %add3A_71, %and3A_69 : vector<256x2048xi32>
    %add3A_73 = arith.addi %bitcast_convert_type3A_63, %add3A_72 : vector<256x2048xi32>
    %and3A_74 = arith.constant -65536 : i32
    %and3A_75 = vector.broadcast %and3A_74 : i32 to vector<256x2048xi32>
    %and3A_76 = arith.andi %add3A_73, %and3A_75 : vector<256x2048xi32>
    %bitcast_convert_type3A_77 = tpu.bitcast %and3A_76 : vector<256x2048xi32> -> vector<256x2048xf32>
    %get3A_78 = arith.constant 0 : index
    %get3A_79 = arith.constant 0 : index
    %get3A_80 = vector.load %arg4[%get3A_78, %get3A_79] : memref<256x1xf32, #tpu.memory_space<vmem>>, vector<256x1xf32>
    %get3A_81 = arith.constant 0 : index
    %get3A_82 = arith.constant 0 : index
    %get3A_83 = vector.load %arg7[%get3A_81, %get3A_82] : memref<1x2048xf32, #tpu.memory_space<vmem>>, vector<1x2048xf32>
    %sub3A_84 = vector.broadcast %get3A_80 : vector<256x1xf32> to vector<256x2048xf32>
    %sub3A_85 = vector.broadcast %get3A_83 : vector<1x2048xf32> to vector<256x2048xf32>
    %sub3A_86 = arith.subf %sub3A_84, %sub3A_85 : vector<256x2048xf32>
    %abs3A_87 = math.absf %sub3A_86 : vector<256x2048xf32>
    %gt3A_88 = arith.constant 5.000000e-01 : f32
    %gt3A_89 = vector.broadcast %gt3A_88 : f32 to vector<256x2048xf32>
    %gt3A_90 = arith.cmpf ogt, %abs3A_87, %gt3A_89 : vector<256x2048xf32>
    %sign3A_91 = tpu.bitcast %sub3A_86 : vector<256x2048xf32> -> vector<256x2048xi32>
    %sign3A_92 = arith.constant -2147483648 : i32
    %sign3A_93 = vector.broadcast %sign3A_92 : i32 to vector<256x2048xi32>
    %sign3A_94 = arith.andi %sign3A_91, %sign3A_93 : vector<256x2048xi32>
    %sign3A_95 = arith.constant 1065353216 : i32
    %sign3A_96 = vector.broadcast %sign3A_95 : i32 to vector<256x2048xi32>
    %sign3A_97 = arith.ori %sign3A_96, %sign3A_94 : vector<256x2048xi32>
    %sign3A_98 = tpu.bitcast %sign3A_97 : vector<256x2048xi32> -> vector<256x2048xf32>
    %sign3A_99 = math.absf %sub3A_86 : vector<256x2048xf32>
    %sign3A_100 = arith.constant 0.000000e+00 : f32
    %sign3A_101 = vector.broadcast %sign3A_100 : f32 to vector<256x2048xf32>
    %sign3A_102 = arith.cmpf ogt, %sign3A_99, %sign3A_101 : vector<256x2048xf32>
    %sign3A_103 = arith.select %sign3A_102, %sign3A_98, %sub3A_86 : vector<256x2048xi1>, vector<256x2048xf32>
    %jit3A_104 = arith.constant 0.000000e+00 : f32
    %broadcast_in_dim3A_105 = vector.broadcast %jit3A_104 : f32 to vector<256x2048xf32>
    %select_n3A_106 = arith.select %gt3A_90, %sign3A_103, %broadcast_in_dim3A_105 : vector<256x2048xi1>, vector<256x2048xf32>
    %sub3A_107 = arith.subf %sub3A_86, %select_n3A_106 : vector<256x2048xf32>
    %bitcast_convert_type3A_108 = tpu.bitcast %sub3A_107 : vector<256x2048xf32> -> vector<256x2048xi32>
    %shift_right_arithmetic3A_109 = arith.constant 16 : i32
    %shift_right_arithmetic3A_110 = vector.broadcast %shift_right_arithmetic3A_109 : i32 to vector<256x2048xi32>
    %shift_right_arithmetic3A_111 = arith.shrsi %bitcast_convert_type3A_108, %shift_right_arithmetic3A_110 : vector<256x2048xi32>
    %and3A_112 = arith.constant 1 : i32
    %and3A_113 = vector.broadcast %and3A_112 : i32 to vector<256x2048xi32>
    %and3A_114 = arith.andi %shift_right_arithmetic3A_111, %and3A_113 : vector<256x2048xi32>
    %add3A_115 = arith.constant 32767 : i32
    %add3A_116 = vector.broadcast %add3A_115 : i32 to vector<256x2048xi32>
    %add3A_117 = arith.addi %add3A_116, %and3A_114 : vector<256x2048xi32>
    %add3A_118 = arith.addi %bitcast_convert_type3A_108, %add3A_117 : vector<256x2048xi32>
    %and3A_119 = arith.constant -65536 : i32
    %and3A_120 = vector.broadcast %and3A_119 : i32 to vector<256x2048xi32>
    %and3A_121 = arith.andi %add3A_118, %and3A_120 : vector<256x2048xi32>
    %bitcast_convert_type3A_122 = tpu.bitcast %and3A_121 : vector<256x2048xi32> -> vector<256x2048xf32>
    %get3A_123 = arith.constant 0 : index
    %get3A_124 = arith.constant 0 : index
    %get3A_125 = memref.load %arg1[%get3A_123, %get3A_124] : memref<3x3xf32, #tpu.memory_space<smem>>
    %mul3A = vector.broadcast %get3A_125 : f32 to vector<256x2048xf32>
    %mul3A_126 = arith.mulf %bitcast_convert_type3A_32, %mul3A : vector<256x2048xf32>
    %get3A_127 = arith.constant 1 : index
    %get3A_128 = arith.constant 0 : index
    %get3A_129 = memref.load %arg1[%get3A_127, %get3A_128] : memref<3x3xf32, #tpu.memory_space<smem>>
    %mul3A_130 = vector.broadcast %get3A_129 : f32 to vector<256x2048xf32>
    %mul3A_131 = arith.mulf %bitcast_convert_type3A_77, %mul3A_130 : vector<256x2048xf32>
    %add3A_132 = arith.addf %mul3A_126, %mul3A_131 : vector<256x2048xf32>
    %get3A_133 = arith.constant 2 : index
    %get3A_134 = arith.constant 0 : index
    %get3A_135 = memref.load %arg1[%get3A_133, %get3A_134] : memref<3x3xf32, #tpu.memory_space<smem>>
    %mul3A_136 = vector.broadcast %get3A_135 : f32 to vector<256x2048xf32>
    %mul3A_137 = arith.mulf %bitcast_convert_type3A_122, %mul3A_136 : vector<256x2048xf32>
    %add3A_138 = arith.addf %add3A_132, %mul3A_137 : vector<256x2048xf32>
    %get3A_139 = arith.constant 0 : index
    %get3A_140 = arith.constant 1 : index
    %get3A_141 = memref.load %arg1[%get3A_139, %get3A_140] : memref<3x3xf32, #tpu.memory_space<smem>>
    %mul3A_142 = vector.broadcast %get3A_141 : f32 to vector<256x2048xf32>
    %mul3A_143 = arith.mulf %bitcast_convert_type3A_32, %mul3A_142 : vector<256x2048xf32>
    %get3A_144 = arith.constant 1 : index
    %get3A_145 = arith.constant 1 : index
    %get3A_146 = memref.load %arg1[%get3A_144, %get3A_145] : memref<3x3xf32, #tpu.memory_space<smem>>
    %mul3A_147 = vector.broadcast %get3A_146 : f32 to vector<256x2048xf32>
    %mul3A_148 = arith.mulf %bitcast_convert_type3A_77, %mul3A_147 : vector<256x2048xf32>
    %add3A_149 = arith.addf %mul3A_143, %mul3A_148 : vector<256x2048xf32>
    %get3A_150 = arith.constant 2 : index
    %get3A_151 = arith.constant 1 : index
    %get3A_152 = memref.load %arg1[%get3A_150, %get3A_151] : memref<3x3xf32, #tpu.memory_space<smem>>
    %mul3A_153 = vector.broadcast %get3A_152 : f32 to vector<256x2048xf32>
    %mul3A_154 = arith.mulf %bitcast_convert_type3A_122, %mul3A_153 : vector<256x2048xf32>
    %add3A_155 = arith.addf %add3A_149, %mul3A_154 : vector<256x2048xf32>
    %get3A_156 = arith.constant 0 : index
    %get3A_157 = arith.constant 2 : index
    %get3A_158 = memref.load %arg1[%get3A_156, %get3A_157] : memref<3x3xf32, #tpu.memory_space<smem>>
    %mul3A_159 = vector.broadcast %get3A_158 : f32 to vector<256x2048xf32>
    %mul3A_160 = arith.mulf %bitcast_convert_type3A_32, %mul3A_159 : vector<256x2048xf32>
    %get3A_161 = arith.constant 1 : index
    %get3A_162 = arith.constant 2 : index
    %get3A_163 = memref.load %arg1[%get3A_161, %get3A_162] : memref<3x3xf32, #tpu.memory_space<smem>>
    %mul3A_164 = vector.broadcast %get3A_163 : f32 to vector<256x2048xf32>
    %mul3A_165 = arith.mulf %bitcast_convert_type3A_77, %mul3A_164 : vector<256x2048xf32>
    %add3A_166 = arith.addf %mul3A_160, %mul3A_165 : vector<256x2048xf32>
    %get3A_167 = arith.constant 2 : index
    %get3A_168 = arith.constant 2 : index
    %get3A_169 = memref.load %arg1[%get3A_167, %get3A_168] : memref<3x3xf32, #tpu.memory_space<smem>>
    %mul3A_170 = vector.broadcast %get3A_169 : f32 to vector<256x2048xf32>
    %mul3A_171 = arith.mulf %bitcast_convert_type3A_122, %mul3A_170 : vector<256x2048xf32>
    %add3A_172 = arith.addf %add3A_166, %mul3A_171 : vector<256x2048xf32>
    %mul3A_173 = arith.mulf %add3A_138, %add3A_138 : vector<256x2048xf32>
    %mul3A_174 = arith.mulf %add3A_155, %add3A_155 : vector<256x2048xf32>
    %add3A_175 = arith.addf %mul3A_173, %mul3A_174 : vector<256x2048xf32>
    %mul3A_176 = arith.mulf %add3A_172, %add3A_172 : vector<256x2048xf32>
    %add3A_177 = arith.addf %add3A_175, %mul3A_176 : vector<256x2048xf32>
    %mul3A_178 = arith.constant 256 : i32
    %mul3A_179 = arith.muli %arg0, %mul3A_178 : i32
    %iota3A = tpu.iota {dimensions = array<i32: 0>} : vector<256x2048xi32>
    %add3A_180 = vector.broadcast %mul3A_179 : i32 to vector<256x2048xi32>
    %add3A_181 = arith.addi %add3A_180, %iota3A : vector<256x2048xi32>
    %iota3A_182 = tpu.iota {dimensions = array<i32: 1>} : vector<256x2048xi32>
    %eq3A = arith.cmpi eq, %add3A_181, %iota3A_182 : vector<256x2048xi32>
    %jit3A_183 = arith.constant 0x7F800000 : f32
    %broadcast_in_dim3A_184 = vector.broadcast %jit3A_183 : f32 to vector<256x2048xf32>
    %select_n3A_185 = arith.select %eq3A, %broadcast_in_dim3A_184, %add3A_177 : vector<256x2048xi1>, vector<256x2048xf32>
    %swap3A = arith.constant 0 : index
    %swap3A_186 = arith.constant 0 : index
    %swap3A_187 = vector.load %arg8[%swap3A, %swap3A_186] : memref<256x2048xf32, #tpu.memory_space<vmem>>, vector<256x2048xf32>
    tpu.vector_store %arg8[%swap3A, %swap3A_186], %select_n3A_185 {strides = array<i32>} : memref<256x2048xf32, #tpu.memory_space<vmem>>, vector<256x2048xf32>,
    return
  }
  func.func @transform_0(%arg0: i32) -> (i32, i32) {
    %c0_i32 = arith.constant 0 : i32
    %c0_i32_0 = arith.constant 0 : i32
    %c0_i32_1 = arith.constant 0 : i32
    return %c0_i32, %c0_i32_0 : i32, i32
  }
  func.func @transform_1(%arg0: i32) -> (i32, i32) {
    %c0_i32 = arith.constant 0 : i32
    %c0_i32_0 = arith.constant 0 : i32
    return %arg0, %c0_i32 : i32, i32
  }
  func.func @transform_2(%arg0: i32) -> (i32, i32) {
    %c0_i32 = arith.constant 0 : i32
    %c0_i32_0 = arith.constant 0 : i32
    return %arg0, %c0_i32 : i32, i32
  }
  func.func @transform_3(%arg0: i32) -> (i32, i32) {
    %c0_i32 = arith.constant 0 : i32
    %c0_i32_0 = arith.constant 0 : i32
    return %arg0, %c0_i32 : i32, i32
  }
  func.func @transform_4(%arg0: i32) -> (i32, i32) {
    %c0_i32 = arith.constant 0 : i32
    %c0_i32_0 = arith.constant 0 : i32
    %c0_i32_1 = arith.constant 0 : i32
    return %c0_i32, %c0_i32_0 : i32, i32
  }
  func.func @transform_5(%arg0: i32) -> (i32, i32) {
    %c0_i32 = arith.constant 0 : i32
    %c0_i32_0 = arith.constant 0 : i32
    %c0_i32_1 = arith.constant 0 : i32
    return %c0_i32, %c0_i32_0 : i32, i32
  }
  func.func @transform_6(%arg0: i32) -> (i32, i32) {
    %c0_i32 = arith.constant 0 : i32
    %c0_i32_0 = arith.constant 0 : i32
    %c0_i32_1 = arith.constant 0 : i32
    return %c0_i32, %c0_i32_0 : i32, i32
  }
  func.func @transform_7(%arg0: i32) -> (i32, i32) {
    %c0_i32 = arith.constant 0 : i32
    %c0_i32_0 = arith.constant 0 : i32
    return %arg0, %c0_i32 : i32, i32
  }
}

</mosaic_0001>

<sc_bundles>
// kernel: kernel.4.cloned.1.call-start
scs
__scs_entry_jumppad:
0x0: {  	(pc) =	sbr.rel $0x88, $3  }
0x1: {  	(tag) =	ssettag $0x0;
	lr =	simm.s32 $0x1  }
0x2: {  	[smem:$0x3F9F] =	sst lr;
	_ =	strace $0xD0000000  }
0x3: {  	_ = 	snop  }
0x4: {  	_ = 	snop  }
0x5: {  	_ = 	snop  }
0x6: {  	_ = 	snop  }
0x7: {  	_ = 	snop  }
__scs_overlays_trampoline_lowered:
0x8: {  	[smem:$0x3FAE] =	sst s0  }
0x9: {  	[smem:$0x3FAF] =	sst s1  }
0xa: {  	[smem:$0x3FB0] =	sst s2  }
0xb: {  	[smem:$0x3FB1] =	sst s3  }
0xc: {  	[smem:$0x3FB2] =	sst s4  }
0xd: {  	[smem:$0x3FB3] =	sst s5  }
0xe: {  	[smem:$0x3FB4] =	sst s6  }
0xf: {  	[smem:$0x3FB5] =	sst s7  }
0x10: {  	[smem:$0x3FB6] =	sst s8  }
0x11: {  	[smem:$0x3FB7] =	sst s9;
	s0 =	simm.s32 @!p0 $0x0  }
0x12: {  	s1 =	sld [smem:$0x3F9D];
	s0 =	simm.s32 @p0 $0x1  }
0x13: {  	[smem:$0x3FB8] =	sst s0;
	s0 =	simm.s32 @!p1 $0x0  }
0x14: {  	s2 =	sld [smem:$0x3F9C];
	s0 =	simm.s32 @p1 $0x1  }
0x15: {  	[smem:$0x3FB9] =	sst s0;
	s0 =	simm.s32 @!p2 $0x0  }
0x16: {  	s3 =	sld [smem:$0x3FDB];
	s0 =	simm.s32 @p2 $0x1  }
0x17: {  	s4 =	simm.s32 $0x1BF5;
	[smem:$0x3FBB] =	sst s0  }
0x18: {  	s0 =	sld [smem:$0x3F9E];
	_ =	swait.ge [sflag:s4], $0x0  }
0x19: {  	s7 =	sld [smem:$0x3F9F]  }
0x1a: {  	s8 =	sadd.s32 $0xFFFFE003, lr  }
0x1b: {  	s9 =	sadd.s32 $0xFFFFFEF7, lr;
	s5 =	simm.s32 $0xFFFFFFFF;
	p2 =	slt.u32 s8, $0xFFFFF086  }
0x1c: {  	p1 =	slt.u32 s9, $0xF7A;
	s5 =	simm.s32 @!p2 $0x0  }
0x1d: {  	s5 =	simm.s32 @p1 $0x1;
	p0 =	seq.s32 s7, s2  }
0x1e: {  	s7 =	smul.u32 @!p0 $0xF7A, s2;
	p2 =	seq.s32 @!p0 s5, $0x0  }
0x1f: {  	s9 =	smul.u32 $0xF7A, s1;
	s8 =	simm.s32 @!p0 $0x1BF5;
	p2 =	por !p2, p0  }
0x20: {  	[sflag:s8] =	ssyncset.s32 @!p0 $0xFFFFF086;
	s6 =	sadd.s32 @!p0 s3, s7;
	s7 =	simm.s32 @!p0 $0x108  }
0x21: {  	s3 =	sadd.s32 s3, s9;
	s6 =	sadd.s32 @!p0 $0x88, s6;
	s7 =	simm.s32 @p2 $0x1082  }
0x22: {  	[simem:s7], [sflag:s8] =	dma.local @!p0 [hbm:s6], $0xF7A  }
0x23: {  	s9 =	sor.u32 $0xD0000000, s2;
	s6 =	simm.s32 $0x108;
	_ =	swait.ge @!p0 [sflag:s8], $0x0  }
0x24: {  	s3 =	sadd.s32 $0x88, s3;
	s6 =	simm.s32 @!p1 $0x1082;
	[sflag:s4] =	ssyncset.s32 $0xFFFFF086  }
0x25: {  	[simem:s6], [sflag:s4] =	dma.local [hbm:s3], $0xF7A  }
0x26: {  	[smem:$0x3F9F] =	sst s1;
	(tag) =	ssettag s2;
	_ =	strace s9  }
0x27: {  	s1 =	sld [smem:$0x3FAF]  }
0x28: {  	s2 =	sld [smem:$0x3FB0]  }
0x29: {  	s4 =	sld [smem:$0x3FB2]  }
0x2a: {  	p0 =	seq.s32 s5, $0x0;
	s5 =	sld [smem:$0x3FB3]  }
0x2b: {  	s6 =	sld [smem:$0x3FB4]  }
0x2c: {  	s7 =	sld [smem:$0x3FB5]  }
0x2d: {  	s3 =	simm.s32 $0x108;
	s8 =	sld [smem:$0x3FB6]  }
0x2e: {  	s3 =	simm.s32 @!p0 $0x1082;
	s9 =	sld [smem:$0x3FB7]  }
0x2f: {  	lr =	sadd.s32 s0, s3;
	s0 =	sld [smem:$0x3FAE]  }
0x30: {  	s3 =	sld [smem:$0x3FB1]  }
0x31: {  	[smem:$0x3FBA] =	sst s10  }
0x32: {  	s10 =	sld [smem:$0x3FB8];
	_ =	sdelay $0x3  }
0x33: {  	p0 =	seq.s32 s10, $0x1;
	s10 =	sld [smem:$0x3FBA];
	_ =	sdelay $0x3  }
0x34: {  	[smem:$0x3FBA] =	sst s10  }
0x35: {  	s10 =	sld [smem:$0x3FB9];
	_ =	sdelay $0x3  }
0x36: {  	p1 =	seq.s32 s10, $0x1;
	s10 =	sld [smem:$0x3FBA];
	_ =	sdelay $0x3  }
0x37: {  	[smem:$0x3FBA] =	sst s10  }
0x38: {  	s10 =	sld [smem:$0x3FBB]  }
0x39: {  	_ = 	snop;
	(pc) =	sbr.ind lr, $3  }
0x3a: {  	_ = 	snop  }
0x3b: {  	_ = 	snop  }
0x3c: {  	p2 =	seq.s32 s10, $0x1;
	s10 =	sld [smem:$0x3FBA]  }
0x3d: {  	_ =	shalt  }
0x3e: {  	_ =	shalt  }
0x3f: {  	_ =	shalt  }
0x40: {  	_ =	shalt  }
0x41: {  	_ =	shalt  }
0x42: {  	_ =	shalt  }
0x43: {  	_ =	shalt  }
0x44: {  	_ =	shalt  }
0x45: {  	_ =	shalt  }
0x46: {  	_ =	shalt  }
0x47: {  	_ =	shalt  }
0x48: {  	_ =	shalt  }
0x49: {  	_ =	shalt  }
0x4a: {  	_ =	shalt  }
0x4b: {  	_ =	shalt  }
0x4c: {  	_ =	shalt  }
0x4d: {  	_ =	shalt  }
0x4e: {  	_ =	shalt  }
0x4f: {  	_ =	shalt  }
0x50: {  	_ =	shalt  }
0x51: {  	_ =	shalt  }
0x52: {  	_ =	shalt  }
0x53: {  	_ =	shalt  }
0x54: {  	_ =	shalt  }
0x55: {  	_ =	shalt  }
0x56: {  	_ =	shalt  }
0x57: {  	_ =	shalt  }
0x58: {  	_ =	shalt  }
0x59: {  	_ =	shalt  }
0x5a: {  	_ =	shalt  }
0x5b: {  	_ =	shalt  }
0x5c: {  	_ =	shalt  }
0x5d: {  	_ =	shalt  }
0x5e: {  	_ =	shalt  }
0x5f: {  	_ =	shalt  }
0x60: {  	_ =	shalt  }
0x61: {  	_ =	shalt  }
0x62: {  	_ =	shalt  }
0x63: {  	_ =	shalt  }
0x64: {  	_ =	shalt  }
0x65: {  	_ =	shalt  }
0x66: {  	_ =	shalt  }
0x67: {  	_ =	shalt  }
0x68: {  	_ =	shalt  }
0x69: {  	_ =	shalt  }
0x6a: {  	_ =	shalt  }
0x6b: {  	_ =	shalt  }
0x6c: {  	_ =	shalt  }
0x6d: {  	_ =	shalt  }
0x6e: {  	_ =	shalt  }
0x6f: {  	_ =	shalt  }
0x70: {  	_ =	shalt  }
0x71: {  	_ =	shalt  }
0x72: {  	_ =	shalt  }
0x73: {  	_ =	shalt  }
0x74: {  	_ =	shalt  }
0x75: {  	_ =	shalt  }
0x76: {  	_ =	shalt  }
0x77: {  	_ =	shalt  }
0x78: {  	_ =	shalt  }
0x79: {  	_ =	shalt  }
0x7a: {  	_ =	shalt  }
0x7b: {  	_ =	shalt  }
0x7c: {  	_ =	shalt  }
0x7d: {  	_ =	shalt  }
0x7e: {  	_ =	shalt  }
0x7f: {  	_ =	shalt  }
0x80: {  	_ =	shalt  }
0x81: {  	_ =	shalt  }
0x82: {  	_ =	shalt  }
0x83: {  	_ =	shalt  }
0x84: {  	_ =	shalt  }
0x85: {  	_ =	shalt  }
0x86: {  	_ =	shalt  }
0x87: {  	_ =	shalt  }
.Lfunc_end0:
.L_simem_size_0:
called_computation_lowered:
.L_overlay_start_0:
0x88: {  	s2 =	sld [smem:$0x3FD9]  }
0x89: {  	s3 =	sld [smem:$0x3FFE];
	_ =	sdelay $0x1  }
0x8a: {  	s1 =	srdreg.scid  }
0x8b: {  	s0 =	sand.u32 $0x1, s1  }
0x8c: {  	s14 =	sshll.u32 s0, $0xA;
	s2 =	sadd.s32 s3, s2  }
0x8d: {  	s2 =	sadd.s32 s2, s14  }
0x8e: {  	[smem:$0x3FC6] =	sst s2  }
0x8f: {  	_ = 	snop  }
0x90: {  	s2 =	sld [smem:$0x3FD0];
	_ =	sdelay $0x2  }
0x91: {  	s15 =	simm.s32 $0xA;
	s4 =	simm.s32 $0x10  }
0x92: {  	[smem:s4], [sflag:s15] =	dma.local [hbm:s2], $0x1  }
0x93: {  	_ =	swait.eq [sflag:s15], $0x1  }
0x94: {  	s16 =	sld [smem:$0x10];
	[sflag:s15] =	ssyncset.done $0x0  }
0x95: {  	s17 =	sld [smem:$0x11];
	[sflag:s15] =	ssyncadd.s32 $0xFFFFFFFF  }
0x96: {  	s18 =	sld [smem:$0x12];
	(tm) =	ssettm $0x1  }
0x97: {  	s5 =	sld [smem:$0x3FFB];
	_ =	sdelay $0x3  }
0x98: {  	_ =	strace s5  }
0x99: {  	s5 =	sld [smem:$0x3FFC];
	_ =	sdelay $0x3  }
0x9a: {  	_ =	strace s5  }
0x9b: {  	s5 =	sld [smem:$0x3FFD];
	_ =	sdelay $0x3  }
0x9c: {  	_ =	strace s5  }
0x9d: {  	_ =	strace $0x8FFFFFFF  }
0x9e: {  	s19 =	sld [smem:$0x3FDB];
	_ =	sdelay $0x1  }
0x9f: {  	s6 =	simm.s32 $_scs_section_size  }
0xa0: {  	s7 =	simm.s32 $_size__tile_overlayer_lowered;
	s8 =	simm.s32 $_tile_overlayer_lowered  }
0xa1: {  	s22 =	simm.s32 $0x1BFF;
	s21 =	sshll.u32 s8, $0x1;
	s5 =	sadd.s32 s6, s19  }
0xa2: {  	s9 =	simm.s32 $0x0;
	s20 =	sshll.u32 s7, $0x1;
	s7 =	sadd.s32 s21, s5  }
0xa3: {  	[timem:s9], [sflag:s22] =	dma.local [hbm:s7], s20  }
0xa4: {  	_ =	swait.ge [sflag:s22], s20  }
0xa5: {  	s6 =	ssub.s32 $0x0, s20;
	[sflag:s22] =	ssyncset.done $0x0  }
0xa6: {  	[sflag:s22] =	ssyncadd.s32 s6;
	_ =	sdelay $0x1  }
0xa7: {  	s23 =	simm.s32 $0x1B8B  }
0xa8: {  	_ =	swait.ge [sflag:s23], $0x1  }
0xa9: {  	[sflag:s23] =	ssyncset.done $0x0  }
0xaa: {  	s25 =	simm.s32 $0x1B8E;
	s24 =	sld [smem:$0x3FFE];
	[sflag:s23] =	ssyncadd.s32 $0xFFFFFFFF  }
0xab: {  	s26 =	simm.s32 $execute0_lowered;
	[smem:$0x3FD2] =	sst s25  }
0xac: {  	s7 =	sshll.u32 s26, $0x1;
	_ =	strace $0x80000046;
	[dreg:$0x1] =	wrdreg $0xFFFFFFFF  }
0xad: {  	s28 =	simm.s32 $_size_execute0_lowered;
	s5 =	sadd.s32 s5, s7;
	[dreg:$0x0] =	wrdreg $0x0  }
0xae: {  	s7 =	sshll.u32 s28, $0x1;
	[dreg:$0x2] =	wrdreg s5  }
0xaf: {  	[dreg:$0x3] =	wrdreg s7  }
0xb0: {  	[dreg:$0x4] =	wrdreg $0xC0  }
0xb1: {  	_ =	task [dreg:s9], $0x5FFFF  }
0xb2: {  	[dreg:$0x1] =	wrdreg $0xFFFFFFFF  }
0xb3: {  	[dreg:$0x0] =	wrdreg $0x60  }
0xb4: {  	[dreg:$0x2] =	wrdreg s24  }
0xb5: {  	[dreg:$0x3] =	wrdreg s18  }
0xb6: {  	[dreg:$0x4] =	wrdreg s16  }
0xb7: {  	[dreg:$0x5] =	wrdreg s17  }
0xb8: {  	[dreg:$0x6] =	wrdreg $0x9  }
0xb9: {  	_ =	task.clear_ibuf [dreg:s9], $0x7FFFF;
	_ =	strace $0x90000046  }
0xba: {  	s29 =	simm.s32 $0x9;
	_ =	strace $0x80000048  }
0xbb: {  	_ =	swait.ge [sflag:s29], $0x1  }
0xbc: {  	[sflag:s29] =	ssyncadd.s32 $0xFFFFFFFF  }
0xbd: {  	_ =	strace $0x90000048  }
0xbe: {  	_ =	sfence  }
0xbf: {  	s30 =	sld [smem:$0x0];
	_ =	sdelay $0x2  }
0xc0: {  	s31 =	sshll.u32 s1, $0xD;
	s1 =	sshrl.u32 s1, $0x2  }
0xc1: {  	s3 =	sand.u32 $0x4000, s31;
	s1 =	sadd.s32 s1, s30  }
0xc2: {  	s0 =	sor.u32 s3, s0;
	s1 =	sshll.u32 s1, $0x11  }
0xc3: {  	s0 =	sor.u32 s1, s0  }
0xc4: {  	s0 =	sadd.s32 $0x8F2B, s0  }
0xc5: {  	[sflag:s0] =	ssyncadd.remote.s32 $0x1  }
0xc6: {  	_ =	sfence.sel $0xFFFF  }
0xc7: {  	[dreg:$0x0] =	wrdreg $0xFFFFFFFF;
	(pc) =	sbr.abs _section_cstart, $3  }
0xc8: {  	[dreg:$0x1] =	wrdreg $0xFFFFFFFF  }
0xc9: {  	_ =	task.clear_ibuf [dreg:s9], $0x2FFFF;
	_ =	strace $0x9FFFFFFF  }
0xca: {  	(tm) =	ssettm $0x7FFFFFFF  }
0xcb: {  	_ =	shalt  }
tec
execute0_lowered:
.L_overlay_start_1:
0x0: {  	(tag) =	ssettag $0x1  }
0x1: {  	v0 =	vimm.s32 $0x4380;
	vm0 =	vcmask $0x300  }
0x2: {  	vm14 =	vcmask $0x704;
	v0 =	vsel vm0, $0x0, v0  }
0x3: {  	vm15 =	vcmask $0xB08;
	v0 =	vsel vm14, $0x80, v0  }
0x4: {  	vm4 =	vcmask $0xF0C;
	v0 =	vsel vm15, $0x100, v0  }
0x5: {  	vm5 =	vcmask $0x1310;
	v0 =	vsel vm4, $0x180, v0  }
0x6: {  	vm6 =	vcmask $0x1714;
	s10 =	rddreg [dreg:$0x0];
	v0 =	vsel vm5, $0x200, v0  }
0x7: {  	vm7 =	vcmask $0x1B18;
	s0 =	rddreg [dreg:$0x1];
	v0 =	vsel vm6, $0x280, v0  }
0x8: {  	vm8 =	vcmask $0x1F1C;
	s1 =	rddreg [dreg:$0x2];
	vm9 =	vcmask $0x2320;
	v0 =	vsel vm7, $0x300, v0  }
0x9: {  	s3 =	rddreg [dreg:$0x3];
	vm10 =	vcmask $0x2724;
	s4 =	simm.s32 $0x0;
	vm11 =	vcmask $0x2B28;
	s8 =	srdreg.scid;
	v0 =	vsel vm8, $0x380, v0  }
0xa: {  	v3 =	vimm.s32 $0x4;
	vm12 =	vcmask $0x2F2C;
	s15 =	simm.s32 $0x1000;
	s16 =	simm.s32 $0x1800;
	s17 =	simm.s32 $0x1880;
	v0 =	vsel vm9, $0x4000, v0  }
0xb: {  	vm13 =	vcmask $0x3330;
	v6 =	vimm.s32 $0x8;
	s18 =	simm.s32 $0x9880;
	s19 =	simm.s32 $0xA080;
	s20 =	simm.s32 $0xA180;
	v0 =	vsel vm10, $0x4080, v0  }
0xc: {  	v7 =	vimm.s32 $0x0;
	v30 =	vlaneseq.u32;
	s21 =	simm.s32 $0xA980;
	s22 =	simm.s32 $0xB180;
	s23 =	simm.s32 $0x0;
	v0 =	vsel vm11, $0x4100, v0  }
0xd: {  	v8 =	vimm.s32 $0xC;
	[smem:$0x7FF] =	sst s4;
	s5 =	sadd.s32 $0x1400, s10;
	s6 =	sadd.s32 $0x1200, s10;
	v10 =	vor.u32 $0x10, v30;
	v0 =	vsel vm12, $0x4180, v0  }
0xe: {  	s7 =	sadd.s32 $0x81400, s10;
	s11 =	sand.u32 $0x1, s8;
	s8 =	stileid.u32;
	v11 =	vor.u32 $0x20, v30;
	vm14 =	vcmask $0x3734;
	v0 =	vsel vm13, $0x4200, v0  }
0xf: {  	v13 =	vor.u32 $0x30, v30;
	s12 =	ssub.s32 $0x2, s11;
	s14 =	sshll.u32 s8, $0x7;
	s11 =	sshll.u32 s11, $0x6;
	vm15 =	vcmask $0x3B38;
	v0 =	vsel vm14, $0x4280, v0  }
0x10: {  	v14 =	vor.u32 $0x40, v30;
	_ =	strace $0x80000047;
	[tilespmem:$0x1FFE0] =	vst v10;
	s13 =	sshrl.u32 s12, $0x1;
	s11 =	sor.u32 s11, s14;
	v9 =	vsel vm15, $0x4300, v0;
	v0 =	vimm.f32 $1.000000000e+00  }
0x11: {  	s9 =	sadd.s32 $0x89400, s10;
	s10 =	sadd.s32 $0x91400, s10;
	v31 =	vor.u32 $0x50, v30;
	[tilespmem:$0x1FFF0] =	vst v11;
	s12 =	ssub.s32 s12, s13;
	v25 =	vand.u32 $0x7FFFFFFF, v0;
	v0 =	vmov s11  }
0x12: {  	v32 =	vor.u32 $0x60, v30;
	v17 =	vor.u32 $0x70, v30;
	v21 =	vmul.u32 $0x80, v30;
	s14 =	simm.s32 $0x800;
	s13 =	simm.s32 $0x1;
	s12 =	smax.u32 s12, $0x1;
	[tilespmem:$0x1FFD0] =	vst v0  }
.LBB2_1:
0x13: {  	[tilespmem:s4], [sflag:$0x1] =	stream.linear.gather [hbm4b:s0+s4], $0x800, $0x38;
	[tilespmem:$0xB980] =	vst v63  }
0x14: {  	_ =	swait.ge [sflag:s13], $0x800  }
0x15: {  	[sflag:s13] =	ssyncset.done $0x0  }
0x16: {  	[sflag:s13] =	ssyncadd.s32 $0xFFFFF800  }
0x17: {  	[tilespmem:s14], [sflag:$0x1] =	stream.linear.gather [hbm4b:s1+s4], $0x800, $0x38;
	[tilespmem:$0xB980] =	vst v63  }
0x18: {  	_ =	swait.ge [sflag:s13], $0x800  }
0x19: {  	[sflag:s13] =	ssyncset.done $0x0  }
0x1a: {  	[sflag:s13] =	ssyncadd.s32 $0xFFFFF800  }
0x1b: {  	[tilespmem:s15], [sflag:$0x1] =	stream.linear.gather [hbm4b:s3+s4], $0x800, $0x38;
	[tilespmem:$0xB980] =	vst v63  }
0x1c: {  	_ =	swait.ge [sflag:s13], $0x800  }
0x1d: {  	[sflag:s13] =	ssyncset.done $0x0  }
0x1e: {  	v0 =	vimm.s32 $0x1;
	[sflag:s13] =	ssyncadd.s32 $0xFFFFF800  }
0x1f: {  	[tilespmem:s16], [sflag:$0x1] =	stream.linear.gather [hbm4b:s6+s4], $0x80, $0x38;
	[tilespmem:$0xB980] =	vst v63  }
0x20: {  	_ =	swait.ge [sflag:s13], $0x80  }
0x21: {  	[sflag:s13] =	ssyncset.done $0x0  }
0x22: {  	[sflag:s13] =	ssyncadd.s32 $0xFFFFFF80  }
0x23: {  	v18 =	vld.idx.msk [tilespmem:v0+s16+$0x0], $0xffff;
	v0 =	vimm.s32 $0x2;
	_ =	sdelay $0x4  }
0x24: {  	v19 =	vld.idx.msk [tilespmem:v0+s16+$0x0], $0xffff;
	v0 =	vimm.s32 $0x3;
	_ =	sdelay $0x4  }
0x25: {  	v20 =	vld.idx.msk [tilespmem:v0+s16+$0x0], $0xffff;
	v0 =	vimm.s32 $0x5;
	_ =	sdelay $0x4  }
0x26: {  	v0 =	vld.idx.msk [tilespmem:v0+s16+$0x0], $0xffff;
	_ =	sdelay $0x4  }
0x27: {  	[tilespmem:$0x1FFB0] =	vst v0;
	v0 =	vimm.s32 $0x6;
	_ =	sdelay $0x4  }
0x28: {  	v24 =	vld.idx.msk [tilespmem:v0+s16+$0x0], $0xffff;
	v0 =	vimm.s32 $0x7;
	_ =	sdelay $0x4  }
0x29: {  	v28 =	vld.idx.msk [tilespmem:v0+s16+$0x0], $0xffff  }
0x2a: {  	v0 =	vld.idx.msk [tilespmem:v6+s16+$0x0], $0xffff;
	_ =	sdelay $0x4  }
0x2b: {  	[tilespmem:$0x1FFC0] =	vst v0;
	v0 =	vimm.s32 $0x9;
	_ =	sdelay $0x3  }
0x2c: {  	v23 =	vld.idx.msk [tilespmem:v3+s16+$0x0], $0xffff  }
0x2d: {  	s24 =	simm.s32 $0x0;
	v12 =	vld.idx.msk [tilespmem:v0+s16+$0x0], $0xffff  }
.LBB2_2:
0x2e: {  	s25 =	simm.s32 $0xF;
	s2 =	simm.s32 $0xD  }
0x2f: {  	s26 =	simm.s32 $0xE;
	s28 =	simm.s32 $0xB;
	s29 =	simm.s32 $0xC;
	v0 =	vmov s25;
	v1 =	vmov s2  }
0x30: {  	s30 =	simm.s32 $0x9;
	s31 =	simm.s32 $0xA;
	v33 =	vmov s26;
	v34 =	vmov s28;
	v35 =	vmov s29  }
0x31: {  	s28 =	simm.s32 $0x7;
	s2 =	simm.s32 $0x8;
	v37 =	vmov s30;
	v38 =	vmov s31;
	v36 =	vand.u32 $0x7F, v0  }
0x32: {  	s30 =	simm.s32 $0x5;
	s31 =	simm.s32 $0x6;
	v0 =	vshll.u32 v0, $0x3;
	v39 =	vmov s28;
	v40 =	vmov s2  }
0x33: {  	v41 =	vmov s30;
	v42 =	vmov s31;
	v48 =	vand.u32 $0x7D, v1  }
0x34: {  	v49 =	vand.u32 $0x7E, v33;
	v50 =	vand.u32 $0x7C, v35;
	v51 =	vshll.u32 v33, $0x3  }
0x35: {  	v52 =	vand.u32 $0x7B, v34;
	v53 =	vshll.u32 v35, $0x3;
	v1 =	vshll.u32 v1, $0x3  }
0x36: {  	s28 =	simm.s32 $0x3;
	v54 =	vand.u32 $0x79, v37;
	v55 =	vand.u32 $0x7A, v38;
	v56 =	vshll.u32 v34, $0x3  }
0x37: {  	s2 =	simm.s32 $0x4;
	s30 =	simm.s32 $0x0;
	s31 =	simm.s32 $0x2;
	v37 =	vshll.u32 v37, $0x3;
	v38 =	vshll.u32 v38, $0x3;
	v43 =	vmov s28  }
0x38: {  	v44 =	vmov s2;
	v45 =	vmov s30;
	v46 =	vmov s31  }
0x39: {  	v0 =	vand.u32 $0x3C00, v0;
	v57 =	vand.u32 $0x78, v40;
	v58 =	vand.u32 $0x76, v42  }
0x3a: {  	v59 =	vand.u32 $0x77, v39;
	v40 =	vshll.u32 v40, $0x3;
	v60 =	vand.u32 $0x75, v41  }
0x3b: {  	v42 =	vshll.u32 v42, $0x3;
	v39 =	vshll.u32 v39, $0x3;
	v41 =	vshll.u32 v41, $0x3  }
0x3c: {  	s2 =	simm.s32 $0x1;
	v51 =	vand.u32 $0x3C00, v51;
	v37 =	vand.u32 $0x3C00, v37;
	v38 =	vand.u32 $0x3C00, v38  }
0x3d: {  	v2 =	vld [tilespmem:$0x1FFD0];
	v53 =	vand.u32 $0x3C00, v53;
	v1 =	vand.u32 $0x3C00, v1;
	v47 =	vmov s2  }
0x3e: {  	v61 =	vand.u32 $0x73, v43;
	v62 =	vand.u32 $0x74, v44;
	v63 =	vand.u32 $0x72, v46  }
0x3f: {  	v43 =	vshll.u32 v43, $0x3;
	v44 =	vshll.u32 v44, $0x3;
	v35 =	vand.u32 $0x70, v45  }
0x40: {  	v45 =	vshll.u32 v45, $0x3;
	v46 =	vshll.u32 v46, $0x3;
	v41 =	vand.u32 $0x3C00, v41  }
0x41: {  	v42 =	vand.u32 $0x3C00, v42;
	v39 =	vand.u32 $0x3C00, v39;
	v40 =	vand.u32 $0x3C00, v40  }
0x42: {  	v37 =	vor.u32 v37, v54;
	v38 =	vor.u32 v38, v55;
	v50 =	vor.u32 v53, v50  }
0x43: {  	s29 =	sshll.u32 s24, $0x4;
	v1 =	vor.u32 v1, v48;
	v0 =	vor.u32 v0, v36;
	v34 =	vand.u32 $0x71, v47  }
0x44: {  	s25 =	sadd.s32 s11, s29;
	v33 =	vshll.u32 v47, $0x3;
	v45 =	vand.u32 $0x3C00, v45;
	v46 =	vand.u32 $0x3C00, v46  }
0x45: {  	s28 =	sshll.u32 s25, $0x8;
	v43 =	vand.u32 $0x3C00, v43;
	v47 =	vand.u32 $0x3C00, v33;
	v45 =	vor.u32 v45, v35;
	v22 =	vld.idx.msk [tilespmem:v2+s29+$0x0 ss:$0x1], $0xffff  }
0x46: {  	s30 =	sadd.s32 s5, s28;
	v44 =	vand.u32 $0x3C00, v44;
	v47 =	vor.u32 v47, v34;
	v45 =	vor.u32 v9, v45;
	v27 =	vld.idx.msk [tilespmem:v2+s29+$0x800 ss:$0x1], $0xffff  }
0x47: {  	v41 =	vor.u32 v41, v60;
	v46 =	vor.u32 v46, v63;
	v47 =	vor.u32 v9, v47;
	v29 =	vld.idx.msk [tilespmem:v2+s29+$0x1000 ss:$0x1], $0xffff;
	[tilespmem:s17], [sflag:$0x1] =	stream.linear.gather [hbm4b:s30+s4], $0x8000, $0x38  }
0x48: {  	v42 =	vor.u32 v42, v58;
	v43 =	vor.u32 v43, v61;
	v46 =	vor.u32 v9, v46;
	_ =	swait.ge [sflag:s13], $0x8000  }
0x49: {  	v39 =	vor.u32 v39, v59;
	v44 =	vor.u32 v44, v62;
	v43 =	vor.u32 v9, v43;
	[sflag:s13] =	ssyncset.done $0x0  }
0x4a: {  	v40 =	vor.u32 v40, v57;
	v37 =	vor.u32 v9, v37;
	v44 =	vor.u32 v9, v44;
	[sflag:s13] =	ssyncadd.s32 $0xFFFF8000  }
0x4b: {  	s28 =	simm.s32 $0x1E;
	v38 =	vor.u32 v9, v38;
	v1 =	vor.u32 v9, v1;
	v41 =	vor.u32 v9, v41;
	v45 =	vld.idx.msk [tilespmem:v45+s17+$0x0], $0xffff  }
0x4c: {  	v0 =	vor.u32 v9, v0;
	v48 =	vmov s28;
	v42 =	vor.u32 v9, v42;
	v47 =	vld.idx.msk [tilespmem:v47+s17+$0x0], $0xffff  }
0x4d: {  	s31 =	simm.s32 $0x1F;
	v39 =	vor.u32 v9, v39;
	v40 =	vor.u32 v9, v40;
	v62 =	vand.u32 $0x3C00, v56;
	v46 =	vld.idx.msk [tilespmem:v46+s17+$0x0], $0xffff  }
0x4e: {  	s28 =	simm.s32 $0x1A;
	v63 =	vor.u32 v9, v50;
	v33 =	vor.u32 v51, v49;
	v35 =	vmov s31;
	v43 =	vld.idx.msk [tilespmem:v43+s17+$0x0], $0xffff  }
0x4f: {  	v51 =	vmov s28;
	v52 =	vor.u32 v62, v52;
	v34 =	vor.u32 v9, v33;
	v44 =	vld.idx.msk [tilespmem:v44+s17+$0x0], $0xffff  }
0x50: {  	v57 =	vshll.u32 v48, $0x3;
	v36 =	vand.u32 $0x7F, v35;
	v52 =	vor.u32 v9, v52;
	s30 =	simm.s32 $0x1C;
	s29 =	simm.s32 $0x17;
	v41 =	vld.idx.msk [tilespmem:v41+s17+$0x0], $0xffff  }
0x51: {  	s2 =	simm.s32 $0x1D;
	s31 =	simm.s32 $0x1B;
	v49 =	vmov s30;
	v55 =	vmov s29;
	v42 =	vld.idx.msk [tilespmem:v42+s17+$0x0], $0xffff;
	v45 =	vmin.f32 v45, v47  }
0x52: {  	v39 =	vld.idx.msk [tilespmem:v39+s17+$0x0], $0xffff;
	v47 =	vmov s31;
	s31 =	simm.s32 $0x18;
	v45 =	vmin.f32 v45, v46;
	v46 =	vmov s2;
	s2 =	simm.s32 $0x19  }
0x53: {  	s28 =	simm.s32 $0x16;
	v40 =	vld.idx.msk [tilespmem:v40+s17+$0x0], $0xffff;
	v58 =	vmov s31;
	s31 =	simm.s32 $0x14;
	v43 =	vmin.f32 v45, v43;
	v50 =	vmov s2  }
0x54: {  	s29 =	simm.s32 $0x13;
	v45 =	vld.idx.msk [tilespmem:v34+s17+$0x0], $0xffff;
	s2 =	simm.s32 $0x15;
	v34 =	vmov s28;
	v2 =	vmov s31;
	v43 =	vmin.f32 v43, v44  }
0x55: {  	v37 =	vld.idx.msk [tilespmem:v37+s17+$0x0], $0xffff;
	s28 =	simm.s32 $0x12;
	s31 =	simm.s32 $0x11;
	v44 =	vshll.u32 v35, $0x3;
	v33 =	vmov s2;
	v35 =	vmov s29  }
0x56: {  	v38 =	vld.idx.msk [tilespmem:v38+s17+$0x0], $0xffff;
	v53 =	vmov s28;
	v56 =	vmov s31;
	v41 =	vmin.f32 v43, v41  }
0x57: {  	s2 =	simm.s32 $0x10;
	v54 =	vand.u32 $0x76, v34;
	v60 =	vand.u32 $0x74, v2;
	v41 =	vmin.f32 v41, v42  }
0x58: {  	v43 =	vld.idx.msk [tilespmem:v52+s17+$0x0], $0xffff;
	v52 =	vmov s2;
	v59 =	vand.u32 $0x75, v33;
	v39 =	vmin.f32 v41, v39  }
0x59: {  	v61 =	vshll.u32 v33, $0x3;
	v42 =	vld.idx.msk [tilespmem:v63+s17+$0x0], $0xffff;
	v63 =	vshll.u32 v2, $0x3;
	v39 =	vmin.f32 v39, v40  }
0x5a: {  	v1 =	vld.idx.msk [tilespmem:v1+s17+$0x0], $0xffff;
	v41 =	vshll.u32 v46, $0x3;
	v40 =	vand.u32 $0x7C, v49;
	v37 =	vmin.f32 v39, v37  }
0x5b: {  	v39 =	vand.u32 $0x7D, v46;
	v46 =	vand.u32 $0x79, v50;
	v37 =	vmin.f32 v37, v38  }
0x5c: {  	v0 =	vld.idx.msk [tilespmem:v0+s17+$0x0], $0xffff;
	v38 =	vand.u32 $0x7E, v48;
	v48 =	vshll.u32 v50, $0x3;
	v50 =	vand.u32 $0x77, v55  }
0x5d: {  	v55 =	vshll.u32 v55, $0x3;
	v37 =	vmin.f32 v37, v43;
	v43 =	vand.u32 $0x7B, v47  }
0x5e: {  	v62 =	vmin.f32 v37, v42;
	v37 =	vand.u32 $0x3C00, v44;
	v42 =	vshll.u32 v49, $0x3  }
0x5f: {  	v44 =	vand.u32 $0x7A, v51;
	v49 =	vand.u32 $0x78, v58;
	v1 =	vmin.f32 v62, v1  }
0x60: {  	v62 =	vand.u32 $0x73, v35;
	v1 =	vmin.f32 v1, v45;
	v45 =	vshll.u32 v47, $0x3  }
0x61: {  	s26 =	simm.s32 $0x9880;
	v47 =	vshll.u32 v51, $0x3;
	v51 =	vshll.u32 v58, $0x3;
	v0 =	vmin.f32 v1, v0  }
0x62: {  	s28 =	simm.s32 $0x2F;
	v58 =	vshll.u32 v34, $0x3;
	v1 =	vand.u32 $0x72, v53;
	[tilespmem:s26+$0x0] =	vst v0;
	v0 =	vshll.u32 v35, $0x3  }
.LBB2_3:
0x63: {  	p0 =	sne.s32 s28, $0x7FF;
	v2 =	vand.u32 $0x70, v52;
	v4 =	vand.u32 $0x71, v56;
	v56 =	vshll.u32 v56, $0x3  }
0x64: {  	v52 =	vshll.u32 v52, $0x3;
	v53 =	vshll.u32 v53, $0x3;
	v56 =	vand.u32 $0x3C00, v56  }
0x65: {  	v52 =	vand.u32 $0x3C00, v52;
	v4 =	vor.u32 v56, v4;
	v56 =	vand.u32 $0x3C00, v57  }
0x66: {  	v2 =	vor.u32 v52, v2;
	v52 =	vand.u32 $0x3C00, v53;
	v4 =	vor.u32 v9, v4  }
0x67: {  	v0 =	vand.u32 $0x3C00, v0;
	v2 =	vor.u32 v9, v2;
	v1 =	vor.u32 v52, v1  }
0x68: {  	v0 =	vor.u32 v0, v62;
	v52 =	vand.u32 $0x3C00, v63;
	v1 =	vor.u32 v9, v1  }
0x69: {  	v0 =	vor.u32 v9, v0;
	v53 =	vand.u32 $0x3C00, v61;
	v52 =	vor.u32 v52, v60  }
0x6a: {  	v57 =	vand.u32 $0x3C00, v58;
	v53 =	vor.u32 v53, v59;
	v52 =	vor.u32 v9, v52  }
0x6b: {  	v55 =	vand.u32 $0x3C00, v55;
	v54 =	vor.u32 v57, v54;
	v53 =	vor.u32 v9, v53;
	v4 =	vld.idx.msk [tilespmem:v4+s17+$0x0], $0xffff  }
0x6c: {  	v51 =	vand.u32 $0x3C00, v51;
	v50 =	vor.u32 v55, v50;
	v54 =	vor.u32 v9, v54;
	v2 =	vld.idx.msk [tilespmem:v2+s17+$0x0], $0xffff  }
0x6d: {  	v48 =	vand.u32 $0x3C00, v48;
	v49 =	vor.u32 v51, v49;
	v50 =	vor.u32 v9, v50;
	v1 =	vld.idx.msk [tilespmem:v1+s17+$0x0], $0xffff  }
0x6e: {  	v47 =	vand.u32 $0x3C00, v47;
	v46 =	vor.u32 v48, v46;
	v49 =	vor.u32 v9, v49;
	v0 =	vld.idx.msk [tilespmem:v0+s17+$0x0], $0xffff  }
0x6f: {  	v45 =	vand.u32 $0x3C00, v45;
	v44 =	vor.u32 v47, v44;
	v46 =	vor.u32 v9, v46;
	v48 =	vld.idx.msk [tilespmem:v52+s17+$0x0], $0xffff  }
0x70: {  	v42 =	vand.u32 $0x3C00, v42;
	v43 =	vor.u32 v45, v43;
	v44 =	vor.u32 v9, v44;
	v47 =	vld.idx.msk [tilespmem:v53+s17+$0x0], $0xffff  }
0x71: {  	v41 =	vand.u32 $0x3C00, v41;
	v40 =	vor.u32 v42, v40;
	v43 =	vor.u32 v9, v43;
	v45 =	vld.idx.msk [tilespmem:v54+s17+$0x0], $0xffff  }
0x72: {  	v39 =	vor.u32 v41, v39;
	v40 =	vor.u32 v9, v40;
	v2 =	vmin.f32 v2, v4;
	v4 =	vld.idx.msk [tilespmem:v50+s17+$0x0], $0xffff  }
0x73: {  	v39 =	vor.u32 v9, v39;
	v38 =	vor.u32 v56, v38;
	v1 =	vmin.f32 v2, v1;
	v2 =	vld.idx.msk [tilespmem:v49+s17+$0x0], $0xffff  }
0x74: {  	v36 =	vor.u32 v37, v36;
	v38 =	vor.u32 v9, v38;
	v0 =	vmin.f32 v1, v0;
	v1 =	vld.idx.msk [tilespmem:v46+s17+$0x0], $0xffff  }
0x75: {  	v37 =	vmov s28;
	v42 =	vor.u32 v9, v36;
	v0 =	vmin.f32 v0, v48;
	v41 =	vld.idx.msk [tilespmem:v44+s17+$0x0], $0xffff  }
0x76: {  	s29 =	sadd.s32 $0xFFFFFFFE, s28;
	s30 =	sadd.s32 $0xFFFFFFFF, s28;
	v36 =	vand.u32 $0x7F, v37;
	v37 =	vshll.u32 v37, $0x3;
	v0 =	vmin.f32 v0, v47;
	v43 =	vld.idx.msk [tilespmem:v43+s17+$0x0], $0xffff  }
0x77: {  	s31 =	sadd.s32 $0xFFFFFFFC, s28;
	s2 =	sadd.s32 $0xFFFFFFFD, s28;
	v46 =	vmov s30;
	v44 =	vmov s29;
	v0 =	vmin.f32 v0, v45;
	v40 =	vld.idx.msk [tilespmem:v40+s17+$0x0], $0xffff  }
0x78: {  	s30 =	sadd.s32 $0xFFFFFFFB, s28;
	s29 =	sadd.s32 $0xFFFFFFFA, s28;
	v47 =	vmov s2;
	v45 =	vmov s31;
	v0 =	vmin.f32 v0, v4;
	v4 =	vld.idx.msk [tilespmem:v39+s17+$0x0], $0xffff  }
0x79: {  	s2 =	sadd.s32 $0xFFFFFFF8, s28;
	v50 =	vmov s30;
	s31 =	sadd.s32 $0xFFFFFFF9, s28;
	v48 =	vmov s29;
	v0 =	vmin.f32 v0, v2;
	v2 =	vld.idx.msk [tilespmem:v38+s17+$0x0], $0xffff  }
0x7a: {  	s30 =	sadd.s32 $0xFFFFFFF7, s28;
	s29 =	sadd.s32 $0xFFFFFFF6, s28;
	v55 =	vmov s2;
	v51 =	vmov s31;
	v0 =	vmin.f32 v0, v1;
	v1 =	vld.idx.msk [tilespmem:v42+s17+$0x0], $0xffff  }
0x7b: {  	s2 =	sadd.s32 $0xFFFFFFF4, s28;
	v58 =	vmov s30;
	s31 =	sadd.s32 $0xFFFFFFF5, s28;
	v61 =	vmov s29;
	v0 =	vmin.f32 v0, v41  }
0x7c: {  	s30 =	sadd.s32 $0xFFFFFFF3, s28;
	s29 =	sadd.s32 $0xFFFFFFF1, s28;
	v63 =	vmov s2;
	v5 =	vmov s31;
	v0 =	vmin.f32 v0, v43  }
0x7d: {  	s2 =	sadd.s32 $0xFFFFFFF2, s28;
	v53 =	vmov s30;
	v52 =	vmov s29;
	v0 =	vmin.f32 v0, v40  }
0x7e: {  	v37 =	vand.u32 $0x3C00, v37;
	v56 =	vmov s2;
	v0 =	vmin.f32 v0, v4  }
0x7f: {  	v39 =	vand.u32 $0x7D, v44;
	v38 =	vand.u32 $0x7E, v46;
	v0 =	vmin.f32 v0, v2  }
0x80: {  	s26 =	sadd.s32 $0x10, s26;
	v57 =	vshll.u32 v46, $0x3;
	v40 =	vand.u32 $0x7C, v47;
	v0 =	vmin.f32 v0, v1  }
0x81: {  	v42 =	vshll.u32 v47, $0x3;
	v41 =	vshll.u32 v44, $0x3;
	v43 =	vand.u32 $0x7B, v45;
	[tilespmem:s26+$0x0] =	vst v0  }
0x82: {  	v46 =	vand.u32 $0x79, v48;
	v44 =	vand.u32 $0x7A, v50;
	v45 =	vshll.u32 v45, $0x3  }
.Ltmp0:
0x83: {  	v49 =	vand.u32 $0x78, v51;
	v48 =	vshll.u32 v48, $0x3;
	v47 =	vshll.u32 v50, $0x3;
	(pc) =	sbr.rel @p0 .LBB2_3-.Ltmp0, $4  }
0x84: {  	v54 =	vand.u32 $0x76, v58;
	v51 =	vshll.u32 v51, $0x3;
	v50 =	vand.u32 $0x77, v55  }
0x85: {  	v58 =	vshll.u32 v58, $0x3;
	v59 =	vand.u32 $0x75, v61;
	v55 =	vshll.u32 v55, $0x3  }
0x86: {  	v62 =	vand.u32 $0x73, v63;
	v61 =	vshll.u32 v61, $0x3;
	v60 =	vand.u32 $0x74, v5  }
0x87: {  	s28 =	sadd.s32 $0x10, s28;
	v1 =	vand.u32 $0x72, v53;
	v0 =	vshll.u32 v63, $0x3;
	v63 =	vshll.u32 v5, $0x3  }
0x88: {  	v2 =	vand.u32 $0x70, v52  }
0x89: {  	v4 =	vand.u32 $0x71, v56;
	v5 =	vshll.u32 v56, $0x3;
	v56 =	vshll.u32 v52, $0x3  }
0x8a: {  	v53 =	vshll.u32 v53, $0x3;
	v0 =	vand.u32 $0x3C00, v0;
	v5 =	vand.u32 $0x3C00, v5  }
0x8b: {  	v33 =	vand.u32 $0x3C00, v63;
	v52 =	vand.u32 $0x3C00, v56;
	v4 =	vor.u32 v5, v4  }
0x8c: {  	v53 =	vand.u32 $0x3C00, v53;
	v2 =	vor.u32 v52, v2;
	v4 =	vor.u32 v9, v4  }
0x8d: {  	v34 =	vand.u32 $0x3C00, v61;
	v1 =	vor.u32 v53, v1;
	v2 =	vor.u32 v9, v2  }
0x8e: {  	v35 =	vand.u32 $0x3C00, v58;
	v0 =	vor.u32 v0, v62;
	v1 =	vor.u32 v9, v1  }
0x8f: {  	v55 =	vand.u32 $0x3C00, v55;
	v0 =	vor.u32 v9, v0;
	v52 =	vor.u32 v33, v60  }
0x90: {  	v51 =	vand.u32 $0x3C00, v51;
	v53 =	vor.u32 v34, v59;
	v52 =	vor.u32 v9, v52  }
0x91: {  	v48 =	vand.u32 $0x3C00, v48;
	v54 =	vor.u32 v35, v54;
	v53 =	vor.u32 v9, v53;
	v4 =	vld.idx.msk [tilespmem:v4+s17+$0x0], $0xffff  }
0x92: {  	v47 =	vand.u32 $0x3C00, v47;
	v50 =	vor.u32 v55, v50;
	v54 =	vor.u32 v9, v54;
	v2 =	vld.idx.msk [tilespmem:v2+s17+$0x0], $0xffff  }
0x93: {  	v45 =	vand.u32 $0x3C00, v45;
	v49 =	vor.u32 v51, v49;
	v50 =	vor.u32 v9, v50;
	v1 =	vld.idx.msk [tilespmem:v1+s17+$0x0], $0xffff  }
0x94: {  	v42 =	vand.u32 $0x3C00, v42;
	v46 =	vor.u32 v48, v46;
	v49 =	vor.u32 v9, v49;
	v0 =	vld.idx.msk [tilespmem:v0+s17+$0x0], $0xffff  }
0x95: {  	v41 =	vand.u32 $0x3C00, v41;
	v44 =	vor.u32 v47, v44;
	v46 =	vor.u32 v9, v46;
	v59 =	vld.idx.msk [tilespmem:v52+s17+$0x0], $0xffff  }
0x96: {  	v43 =	vor.u32 v45, v43;
	v40 =	vor.u32 v42, v40;
	v44 =	vor.u32 v9, v44;
	v60 =	vld.idx.msk [tilespmem:v53+s17+$0x0], $0xffff  }
0x97: {  	v39 =	vor.u32 v41, v39;
	v43 =	vor.u32 v9, v43;
	v61 =	vld.idx.msk [tilespmem:v54+s17+$0x0], $0xffff;
	v2 =	vmin.f32 v2, v4  }
0x98: {  	v5 =	vand.u32 $0x3C00, v57;
	v40 =	vor.u32 v9, v40;
	v4 =	vld.idx.msk [tilespmem:v50+s17+$0x0], $0xffff;
	v1 =	vmin.f32 v2, v1  }
0x99: {  	v39 =	vor.u32 v9, v39;
	v5 =	vor.u32 v5, v38;
	v2 =	vld.idx.msk [tilespmem:v49+s17+$0x0], $0xffff;
	v0 =	vmin.f32 v1, v0  }
0x9a: {  	v36 =	vor.u32 v37, v36;
	v5 =	vor.u32 v9, v5;
	v1 =	vld.idx.msk [tilespmem:v46+s17+$0x0], $0xffff;
	v0 =	vmin.f32 v0, v59  }
0x9b: {  	v36 =	vor.u32 v9, v36;
	v62 =	vld.idx.msk [tilespmem:v44+s17+$0x0], $0xffff;
	v0 =	vmin.f32 v0, v60  }
0x9c: {  	v63 =	vld.idx.msk [tilespmem:v43+s17+$0x0], $0xffff;
	v0 =	vmin.f32 v0, v61  }
0x9d: {  	v40 =	vld.idx.msk [tilespmem:v40+s17+$0x0], $0xffff;
	v0 =	vmin.f32 v0, v4  }
0x9e: {  	v4 =	vld.idx.msk [tilespmem:v39+s17+$0x0], $0xffff;
	v0 =	vmin.f32 v0, v2  }
0x9f: {  	v2 =	vld.idx.msk [tilespmem:v5+s17+$0x0], $0xffff;
	v0 =	vmin.f32 v0, v1  }
0xa0: {  	v1 =	vld.idx.msk [tilespmem:v36+s17+$0x0], $0xffff;
	v0 =	vmin.f32 v0, v62  }
0xa1: {  	v0 =	vmin.f32 v0, v63  }
0xa2: {  	v0 =	vmin.f32 v0, v40  }
0xa3: {  	v0 =	vmin.f32 v0, v4  }
0xa4: {  	v0 =	vmin.f32 v0, v2  }
0xa5: {  	s2 =	sadd.s32 $0x10, s26;
	v0 =	vmin.f32 v0, v1  }
0xa6: {  	s29 =	simm.s32 $0x98C0;
	[tilespmem:s2+$0x0] =	vst v0  }
0xa7: {  	v0 =	vld [tilespmem:s29+$0xFFFFFFD0]  }
0xa8: {  	s26 =	simm.s32 $0x0;
	s30 =	simm.s32 $0x40;
	s28 =	simm.s32 $0x0;
	v1 =	vld [tilespmem:s29+$0xFFFFFFC0]  }
.LBB2_5:
0xa9: {  	p0 =	sne.s32 s30, $0x3C0;
	v2 =	vld [tilespmem:s29+$0xFFFFFFE0]  }
0xaa: {  	v4 =	vld [tilespmem:s29+$0xFFFFFFF0]  }
0xab: {  	v5 =	vld [tilespmem:s29+$0x0]  }
0xac: {  	v36 =	vld [tilespmem:s29+$0x10]  }
0xad: {  	v0 =	vmin.f32 v1, v0;
	v1 =	vld [tilespmem:s29+$0x20]  }
0xae: {  	v0 =	vmin.f32 v0, v2;
	v2 =	vld [tilespmem:s29+$0x30]  }
0xaf: {  	v0 =	vmin.f32 v0, v4  }
0xb0: {  	v0 =	vmin.f32 v0, v5  }
0xb1: {  	v0 =	vmin.f32 v0, v36  }
.Ltmp1:
0xb2: {  	v0 =	vmin.f32 v0, v1;
	(pc) =	sbr.rel @p0 .LBB2_5-.Ltmp1, $4  }
0xb3: {  	s2 =	sshra.s32 s28, $0x2;
	s28 =	smov.u32 s30;
	v0 =	vmin.f32 v0, v2  }
0xb4: {  	s29 =	sadd.s32 $0x80, s29;
	[tilespmem:s2+$0xA080] =	vst v0  }
0xb5: {  	v0 =	vld [tilespmem:s29+$0xFFFFFFD0]  }
0xb6: {  	s30 =	sadd.s32 $0x40, s30;
	v1 =	vld [tilespmem:s29+$0xFFFFFFC0]  }
0xb7: {  	v2 =	vld [tilespmem:s29+$0xFFFFFFE0]  }
0xb8: {  	v4 =	vld [tilespmem:s29+$0xFFFFFFF0]  }
0xb9: {  	v5 =	vld [tilespmem:s29+$0x0]  }
0xba: {  	v36 =	vld [tilespmem:s29+$0x10]  }
0xbb: {  	v0 =	vmin.f32 v1, v0;
	v1 =	vld [tilespmem:s29+$0x20]  }
0xbc: {  	v0 =	vmin.f32 v0, v2;
	v2 =	vld [tilespmem:s29+$0x30]  }
0xbd: {  	v0 =	vmin.f32 v0, v4  }
0xbe: {  	v0 =	vmin.f32 v0, v5  }
0xbf: {  	v0 =	vmin.f32 v0, v36  }
0xc0: {  	v0 =	vmin.f32 v0, v1  }
0xc1: {  	s2 =	sshra.s32 s28, $0x2;
	[tilespmem:$0x1FFA0] =	vst v22;
	v0 =	vmin.f32 v0, v2  }
0xc2: {  	[tilespmem:s2+$0xA080] =	vst v0  }
.LBB2_7:
0xc3: {  	v0 =	vld [tilespmem:$0xA080]  }
0xc4: {  	v1 =	vld [tilespmem:$0xA090]  }
0xc5: {  	v2 =	vld [tilespmem:$0xA0A0]  }
0xc6: {  	v4 =	vld [tilespmem:$0xA0B0]  }
0xc7: {  	v5 =	vld [tilespmem:$0xA0C0]  }
0xc8: {  	v36 =	vld [tilespmem:$0xA0D0]  }
0xc9: {  	v37 =	vld [tilespmem:$0xA0E0]  }
0xca: {  	v38 =	vld [tilespmem:$0xA0F0]  }
0xcb: {  	v39 =	vld [tilespmem:$0xA100];
	vm0 =	vlt.f32 v1, v0  }
0xcc: {  	v0 =	vsel vm0, v1, v0;
	v1 =	vld [tilespmem:$0xA110]  }
0xcd: {  	v40 =	vld [tilespmem:$0xA120];
	vm1 =	vlt.f32 v2, v0  }
0xce: {  	v42 =	vld [tilespmem:$0xA140];
	v0 =	vsel vm1, v2, v0  }
0xcf: {  	vm2 =	vlt.f32 v36, v5;
	v41 =	vsel vm0, $0x1, v7;
	v2 =	vld [tilespmem:$0xA130];
	vm13 =	vlt.f32 v4, v0  }
0xd0: {  	v57 =	vsel vm2, $0x5, v3;
	v0 =	vsel vm13, v4, v0;
	v4 =	vsel vm2, v36, v5;
	v5 =	vld [tilespmem:$0xA150]  }
0xd1: {  	v41 =	vsel vm1, $0x2, v41;
	vm14 =	vlt.f32 v37, v4;
	vm15 =	vlt.f32 v1, v39  }
0xd2: {  	v58 =	vld [tilespmem:$0xA160];
	v56 =	vsel vm13, $0x3, v41;
	v4 =	vsel vm14, v37, v4;
	v1 =	vsel vm15, v1, v39  }
0xd3: {  	v59 =	vsel vm14, $0x6, v57;
	vm4 =	vlt.f32 v38, v4;
	vm5 =	vlt.f32 v40, v1  }
0xd4: {  	v61 =	vld [tilespmem:$0xA170];
	v62 =	vsel vm15, $0x9, v6;
	v4 =	vsel vm4, v38, v4;
	v1 =	vsel vm5, v40, v1  }
0xd5: {  	v60 =	vsel vm4, $0x7, v59;
	vm6 =	vlt.f32 v2, v1;
	vm7 =	vlt.f32 v5, v42  }
0xd6: {  	v40 =	vsel vm5, $0xA, v62;
	v1 =	vsel vm6, v2, v1;
	v2 =	vsel vm7, v5, v42  }
0xd7: {  	vm9 =	vlt.f32 v4, v0;
	v5 =	vsel vm6, $0xB, v40;
	vm8 =	vlt.f32 v58, v2  }
0xd8: {  	v63 =	vsel vm7, $0xD, v8;
	v0 =	vsel vm9, v4, v0;
	v2 =	vsel vm8, v58, v2  }
0xd9: {  	v36 =	vsel vm9, v60, v56;
	vm11 =	vlt.f32 v1, v0;
	vm10 =	vlt.f32 v61, v2  }
0xda: {  	v4 =	vsel vm8, $0xE, v63;
	v0 =	vsel vm11, v1, v0;
	v2 =	vsel vm10, v61, v2  }
0xdb: {  	v1 =	vsel vm10, $0xF, v4;
	v4 =	vsel vm11, v5, v36;
	vm12 =	vlt.f32 v2, v0  }
0xdc: {  	v36 =	vsel vm12, v1, v4  }
0xdd: {  	v0 =	vshll.u32 v36, $0x7  }
0xde: {  	v1 =	vor.u32 v30, v0  }
0xdf: {  	v41 =	vor.u32 v10, v0;
	_ =	sdelay $0x1  }
0xe0: {  	v42 =	vor.u32 v11, v0;
	_ =	sdelay $0x1  }
0xe1: {  	v44 =	vor.u32 v13, v0;
	[tilespmem:$0x1FF60] =	vst v1;
	v1 =	vld.idx.msk [tilespmem:v1+s18+$0x0], $0xffff  }
0xe2: {  	v2 =	vld.idx.msk [tilespmem:v41+s18+$0x0], $0xffff  }
0xe3: {  	v43 =	vor.u32 v14, v0  }
0xe4: {  	v4 =	vld.idx.msk [tilespmem:v42+s18+$0x0], $0xffff  }
0xe5: {  	v6 =	vor.u32 v31, v0  }
0xe6: {  	v5 =	vld.idx.msk [tilespmem:v44+s18+$0x0], $0xffff  }
0xe7: {  	v3 =	vor.u32 v32, v0;
	vm13 =	vlt.f32 v2, v1  }
0xe8: {  	v1 =	vsel vm13, v2, v1;
	v2 =	vld.idx.msk [tilespmem:v43+s18+$0x0], $0xffff  }
0xe9: {  	v7 =	vor.u32 v17, v0;
	vm14 =	vlt.f32 v4, v1  }
0xea: {  	v0 =	vsel vm14, v4, v1;
	v1 =	vld.idx.msk [tilespmem:v6+s18+$0x0], $0xffff  }
0xeb: {  	vm15 =	vlt.f32 v5, v0  }
0xec: {  	v4 =	vld.idx.msk [tilespmem:v3+s18+$0x0], $0xffff;
	v0 =	vsel vm15, v5, v0  }
0xed: {  	v49 =	vshll.u32 v36, $0x3;
	vm3 =	vlt.f32 v2, v0  }
0xee: {  	v50 =	vor.u32 $0x1, v49;
	v0 =	vsel vm3, v2, v0;
	v2 =	vld.idx.msk [tilespmem:v7+s18+$0x0], $0xffff  }
0xef: {  	v52 =	vor.u32 $0x2, v49;
	v5 =	vsel vm13, v50, v49;
	vm4 =	vlt.f32 v1, v0  }
0xf0: {  	v51 =	vor.u32 $0x3, v49;
	v5 =	vsel vm14, v52, v5;
	v0 =	vsel vm4, v1, v0  }
0xf1: {  	v45 =	vor.u32 $0x4, v49;
	v1 =	vsel vm15, v51, v5;
	vm0 =	vlt.f32 v4, v0  }
0xf2: {  	v46 =	vor.u32 $0x5, v49;
	v1 =	vsel vm3, v45, v1;
	v0 =	vsel vm0, v4, v0  }
0xf3: {  	v1 =	vsel vm4, v46, v1;
	v4 =	vor.u32 $0x6, v49;
	vm5 =	vlt.f32 v2, v0  }
0xf4: {  	v1 =	vsel vm0, v4, v1;
	v4 =	vor.u32 $0x7, v49;
	vm1 =	vmneg vm5  }
0xf5: {  	v53 =	vsel vm1, v1, v4  }
0xf6: {  	v54 =	vshll.u32 v53, $0x4;
	v1 =	vshll.u32 v53, $0x7  }
0xf7: {  	v47 =	vsel vm1, v0, v2;
	v0 =	vand.u32 $0x70, v54;
	v1 =	vand.u32 $0x7FFFFC00, v1  }
0xf8: {  	v2 =	vor.u32 $0x1, v54;
	v8 =	vor.u32 $0x2, v54;
	v55 =	vor.u32 $0xE, v54  }
0xf9: {  	v56 =	vor.u32 $0x3, v54;
	v57 =	vor.u32 $0xD, v54;
	v59 =	vor.u32 $0xC, v54  }
0xfa: {  	v61 =	vor.u32 $0xB, v54;
	v1 =	vadd.s32 v9, v1;
	v58 =	vand.u32 $0x7E, v55  }
0xfb: {  	v63 =	vor.u32 $0xA, v54;
	v60 =	vand.u32 $0x7D, v57;
	v58 =	vor.u32 v58, v1  }
0xfc: {  	v37 =	vmovc v12;
	v12 =	vor.u32 $0x9, v54;
	v62 =	vand.u32 $0x7C, v59;
	v60 =	vor.u32 v60, v1  }
0xfd: {  	[tilespmem:$0x1FF70] =	vst v6;
	v4 =	vor.u32 $0x8, v54;
	v6 =	vand.u32 $0x7B, v61;
	v62 =	vor.u32 v62, v1  }
0xfe: {  	v38 =	vmovc v23;
	v10 =	vor.u32 $0x7, v54;
	v23 =	vand.u32 $0x7A, v63;
	v6 =	vor.u32 v6, v1  }
0xff: {  	v40 =	vmovc v21;
	v21 =	vmovc v20;
	[tilespmem:$0x1FF90] =	vst v7;
	v20 =	vor.u32 $0x6, v54;
	v7 =	vand.u32 $0x79, v12;
	v23 =	vor.u32 v23, v1  }
0x100: {  	v30 =	vmovc v14;
	[tilespmem:$0x1FF80] =	vst v3;
	v14 =	vor.u32 $0x5, v54;
	v11 =	vand.u32 $0x78, v4;
	v7 =	vor.u32 v7, v1;
	v58 =	vld.idx.msk [tilespmem:v58+s17+$0x0], $0xffff  }
0x101: {  	v3 =	vmovc v29;
	v29 =	vmovc v13;
	v16 =	vor.u32 $0x4, v54;
	v13 =	vand.u32 $0x77, v10;
	v11 =	vor.u32 v11, v1;
	v60 =	vld.idx.msk [tilespmem:v60+s17+$0x0], $0xffff  }
0x102: {  	v22 =	vmovc v24;
	v24 =	vor.u32 $0xF, v54;
	v15 =	vand.u32 $0x76, v20;
	v13 =	vor.u32 v13, v1;
	v62 =	vld.idx.msk [tilespmem:v62+s17+$0x0], $0xffff  }
0x103: {  	v33 =	vmovc v17;
	v5 =	vand.u32 $0x71, v2;
	v17 =	vand.u32 $0x75, v14;
	v15 =	vor.u32 v15, v1;
	v6 =	vld.idx.msk [tilespmem:v6+s17+$0x0], $0xffff  }
0x104: {  	v34 =	vmovc v18;
	v35 =	vmovc v19;
	v48 =	vand.u32 $0x72, v8;
	v19 =	vand.u32 $0x74, v16;
	v17 =	vor.u32 v17, v1;
	v23 =	vld.idx.msk [tilespmem:v23+s17+$0x0], $0xffff  }
0x105: {  	v39 =	vmovc v25;
	v18 =	vand.u32 $0x73, v56;
	v19 =	vor.u32 v19, v1;
	v7 =	vld.idx.msk [tilespmem:v7+s17+$0x0], $0xffff;
	vm6 =	veq.f32 v58, v47  }
0x106: {  	v18 =	vor.u32 v18, v1;
	v11 =	vld.idx.msk [tilespmem:v11+s17+$0x0], $0xffff;
	vm7 =	veq.f32 v60, v47;
	v25 =	vsel vm6, v55, v24  }
0x107: {  	v48 =	vor.u32 v48, v1;
	v13 =	vld.idx.msk [tilespmem:v13+s17+$0x0], $0xffff;
	vm8 =	veq.f32 v62, v47;
	v25 =	vsel vm7, v57, v25  }
0x108: {  	v5 =	vor.u32 v5, v1;
	v15 =	vld.idx.msk [tilespmem:v15+s17+$0x0], $0xffff;
	vm9 =	veq.f32 v6, v47;
	v25 =	vsel vm8, v59, v25  }
0x109: {  	v0 =	vor.u32 v0, v1;
	v17 =	vld.idx.msk [tilespmem:v17+s17+$0x0], $0xffff;
	vm10 =	veq.f32 v23, v47;
	v25 =	vsel vm9, v61, v25  }
0x10a: {  	v19 =	vld.idx.msk [tilespmem:v19+s17+$0x0], $0xffff;
	vm11 =	veq.f32 v7, v47;
	v25 =	vsel vm10, v63, v25  }
0x10b: {  	v18 =	vld.idx.msk [tilespmem:v18+s17+$0x0], $0xffff;
	vm12 =	veq.f32 v11, v47;
	v25 =	vsel vm11, v12, v25  }
0x10c: {  	v26 =	vld.idx.msk [tilespmem:v48+s17+$0x0], $0xffff;
	vm13 =	veq.f32 v13, v47;
	v25 =	vsel vm12, v4, v25  }
0x10d: {  	v5 =	vld.idx.msk [tilespmem:v5+s17+$0x0], $0xffff;
	vm14 =	veq.f32 v15, v47;
	v25 =	vsel vm13, v10, v25  }
0x10e: {  	v0 =	vld.idx.msk [tilespmem:v0+s17+$0x0], $0xffff;
	vm15 =	veq.f32 v17, v47;
	v25 =	vsel vm14, v20, v25  }
0x10f: {  	vm4 =	veq.f32 v19, v47;
	v25 =	vsel vm15, v14, v25  }
0x110: {  	vm5 =	veq.f32 v18, v47;
	v25 =	vsel vm4, v16, v25  }
0x111: {  	vm6 =	veq.f32 v26, v47;
	v25 =	vsel vm5, v56, v25  }
0x112: {  	vm7 =	veq.f32 v5, v47;
	v25 =	vsel vm6, v8, v25  }
0x113: {  	vm8 =	veq.f32 v0, v47;
	v25 =	vsel vm7, v2, v25  }
0x114: {  	v48 =	vsel vm8, v54, v25  }
0x115: {  	vm2 =	veq.s32 v2, v48  }
0x116: {  	v2 =	vsel vm2, $0x7F800000, v5  }
0x117: {  	vm9 =	veq.s32 v54, v48;
	v0 =	vmin.f32 v0, v2  }
0x118: {  	v0 =	vsel vm9, v2, v0  }
0x119: {  	vm10 =	veq.s32 v8, v48;
	v2 =	vmin.f32 v0, v26  }
0x11a: {  	v0 =	vsel vm10, v0, v2  }
0x11b: {  	vm11 =	veq.s32 v56, v48;
	v2 =	vmin.f32 v0, v18  }
0x11c: {  	v0 =	vsel vm11, v0, v2  }
0x11d: {  	vm12 =	veq.s32 v16, v48;
	v2 =	vmin.f32 v0, v19  }
0x11e: {  	v0 =	vsel vm12, v0, v2  }
0x11f: {  	vm13 =	veq.s32 v14, v48;
	v2 =	vmin.f32 v0, v17  }
0x120: {  	v0 =	vsel vm13, v0, v2  }
0x121: {  	vm14 =	veq.s32 v20, v48;
	v2 =	vmin.f32 v0, v15  }
0x122: {  	v0 =	vsel vm14, v0, v2  }
0x123: {  	vm15 =	veq.s32 v10, v48;
	v2 =	vmin.f32 v0, v13  }
0x124: {  	v0 =	vsel vm15, v0, v2  }
0x125: {  	vm4 =	veq.s32 v4, v48;
	v2 =	vmin.f32 v0, v11  }
0x126: {  	v0 =	vsel vm4, v0, v2  }
0x127: {  	vm5 =	veq.s32 v12, v48;
	v2 =	vmin.f32 v0, v7  }
0x128: {  	v0 =	vsel vm5, v0, v2;
	v2 =	vand.u32 $0x7F, v24  }
0x129: {  	vm6 =	veq.s32 v63, v48;
	v1 =	vor.u32 v2, v1;
	v2 =	vmin.f32 v0, v23  }
0x12a: {  	v0 =	vsel vm6, v0, v2  }
0x12b: {  	vm7 =	veq.s32 v61, v48;
	v2 =	vmin.f32 v0, v6  }
0x12c: {  	v0 =	vsel vm7, v0, v2  }
0x12d: {  	vm8 =	veq.s32 v59, v48;
	v2 =	vshll.u32 v48, $0x3;
	v4 =	vmin.f32 v0, v62  }
0x12e: {  	v13 =	vmovc v29;
	v29 =	vmovc v3;
	v3 =	vand.u32 $0x7F, v48;
	v2 =	vand.u32 $0x7FFFFC00, v2;
	v0 =	vsel vm8, v0, v4;
	v1 =	vld.idx.msk [tilespmem:v1+s17+$0x0], $0xffff  }
0x12f: {  	vm9 =	veq.s32 v57, v48;
	v2 =	vor.u32 v3, v2;
	v3 =	vmin.f32 v0, v60  }
0x130: {  	v0 =	vsel vm9, v0, v3  }
0x131: {  	vm10 =	veq.s32 v55, v48;
	v4 =	vmin.f32 v0, v58  }
0x132: {  	v0 =	vsel vm10, v0, v4  }
0x133: {  	vm11 =	veq.s32 v24, v48;
	v1 =	vmin.f32 v0, v1  }
0x134: {  	v14 =	vmovc v30;
	v30 =	vlaneseq.u32;
	v2 =	vadd.s32 v9, v2;
	v0 =	vsel vm11, v0, v1;
	v1 =	vld [tilespmem:$0x1FF60]  }
0x135: {  	v3 =	vor.u32 v30, v54;
	_ =	sdelay $0x2  }
0x136: {  	v5 =	vimm.f32 $+Inf  }
0x137: {  	[tilespmem:v2+s17+$0x0] =	vst.idx.msk $0xffff, v5  }
0x138: {  	[tilespmem:v3+s18+$0x0] =	vst.idx.msk $0xffff, v0  }
0x139: {  	v2 =	vld.idx.msk [tilespmem:v41+s18+$0x0], $0xffff  }
0x13a: {  	v1 =	vld.idx.msk [tilespmem:v1+s18+$0x0], $0xffff  }
0x13b: {  	v3 =	vld.idx.msk [tilespmem:v42+s18+$0x0], $0xffff  }
0x13c: {  	v4 =	vld.idx.msk [tilespmem:v44+s18+$0x0], $0xffff;
	_ =	sdelay $0x1  }
0x13d: {  	vm12 =	veq.s32 v49, v53;
	vm13 =	veq.s32 v50, v53  }
0x13e: {  	vm14 =	veq.s32 v52, v53;
	v6 =	vld [tilespmem:$0x1FF70];
	v2 =	vsel vm13, v0, v2;
	v1 =	vsel vm12, v0, v1  }
0x13f: {  	vm15 =	veq.s32 v51, v53;
	v1 =	vmin.f32 v1, v2;
	v2 =	vsel vm14, v0, v3;
	v3 =	vld [tilespmem:$0x1FF80]  }
0x140: {  	v1 =	vmin.f32 v1, v2;
	v2 =	vsel vm15, v0, v4;
	v4 =	vld [tilespmem:$0x1FF90];
	_ =	sdelay $0x4  }
0x141: {  	v5 =	vld.idx.msk [tilespmem:v43+s18+$0x0], $0xffff  }
0x142: {  	v6 =	vld.idx.msk [tilespmem:v6+s18+$0x0], $0xffff  }
0x143: {  	v3 =	vld.idx.msk [tilespmem:v3+s18+$0x0], $0xffff  }
0x144: {  	v4 =	vld.idx.msk [tilespmem:v4+s18+$0x0], $0xffff  }
0x145: {  	vm4 =	veq.s32 v45, v53;
	v1 =	vmin.f32 v1, v2;
	v2 =	vshll.u32 v36, $0x4  }
0x146: {  	vm5 =	veq.s32 v46, v53;
	v5 =	vsel vm4, v0, v5;
	v2 =	vor.u32 v30, v2  }
0x147: {  	vm0 =	vmand vm0, vm1;
	v1 =	vmin.f32 v1, v5;
	v5 =	vsel vm5, v0, v6  }
0x148: {  	v1 =	vmin.f32 v1, v5;
	v3 =	vsel vm0, v0, v3  }
0x149: {  	v1 =	vmin.f32 v1, v3;
	v0 =	vsel vm1, v4, v0  }
0x14a: {  	v0 =	vmin.f32 v1, v0  }
0x14b: {  	[tilespmem:v2+s19+$0x0] =	vst.idx.msk $0xffff, v0;
	v0 =	vmax.f32 v47, $0.0e+00  }
0x14c: {  	v24 =	vmov v22;
	v22 =	vld [tilespmem:$0x1FFA0];
	v2 =	vshra.s32 v0, $0x1;
	v3 =	vmul.f32 $5.000000000e-01, v0  }
0x14d: {  	v1 =	vld.idx.msk [tilespmem:v48+s4+$0x0], $0xffff;
	v2 =	vsub.s32 $0x5F3759DF, v2  }
0x14e: {  	v4 =	vmul.f32 v2, v3  }
0x14f: {  	v5 =	vld.idx.msk [tilespmem:v48+s14+$0x0], $0xffff  }
0x150: {  	v4 =	vmul.f32 v2, v4;
	_ =	sdelay $0x1  }
0x151: {  	v1 =	vsub.f32 v22, v1;
	v4 =	vsub.f32 $1.500000000e+00, v4;
	_ =	sdelay $0x1  }
0x152: {  	v5 =	vsub.f32 v27, v5;
	v6 =	vand.u32 $0x7FFFFFFF, v1;
	v2 =	vmul.f32 v2, v4  }
0x153: {  	v7 =	vand.u32 $0x80000000, v1;
	vm6 =	vlt.f32 v1, $0.0e+00;
	vm7 =	vgt.f32 v1, $0.0e+00;
	v4 =	vld.idx.msk [tilespmem:v48+s15+$0x0], $0xffff  }
0x154: {  	v8 =	vand.u32 $0x80000000, v5;
	vm9 =	vlt.f32 v5, $0.0e+00;
	v3 =	vmul.f32 v2, v3  }
0x155: {  	vm10 =	vgt.f32 v5, $0.0e+00;
	vm8 =	vgt.f32 v6, $5.000000000e-01;
	v6 =	vor.u32 v7, v39  }
0x156: {  	vm0 =	vmor vm7, vm6;
	v7 =	vand.u32 $0x7FFFFFFF, v5;
	v3 =	vmul.f32 v3, v2  }
0x157: {  	v8 =	vor.u32 v8, v39;
	v6 =	vsel vm0, v6, v1;
	vm0 =	vmor vm10, vm9  }
0x158: {  	v6 =	vnsel vm8, $0x0, v6;
	v4 =	vsub.f32 v29, v4;
	v3 =	vsub.f32 $1.500000000e+00, v3  }
0x159: {  	vm11 =	vgt.f32 v7, $5.000000000e-01;
	v1 =	vsub.f32 v1, v6;
	v6 =	vsel vm0, v8, v5  }
0x15a: {  	v6 =	vnsel vm11, $0x0, v6;
	v7 =	vand.u32 $0x7FFFFFFF, v4;
	v2 =	vmul.f32 v3, v2  }
0x15b: {  	vm12 =	vlt.f32 v4, $0.0e+00;
	vm13 =	vgt.f32 v4, $0.0e+00;
	v3 =	vand.u32 $0x80000000, v4  }
0x15c: {  	vm0 =	vmor vm13, vm12;
	v3 =	vor.u32 v3, v39;
	v2 =	vmul.f32 v2, v0  }
0x15d: {  	v5 =	vsub.f32 v5, v6;
	vm14 =	vgt.f32 v7, $5.000000000e-01;
	v3 =	vsel vm0, v3, v4  }
0x15e: {  	v3 =	vnsel vm14, $0x0, v3;
	(erf) = vrcp.f32 v2  }
0x15f: {  	v6 =	vshrl.u32 v5, $0x10;
	v3 =	vsub.f32 v4, v3;
	v4 =	vshrl.u32 v1, $0x10  }
0x160: {  	v6 =	vand.u32 $0x1, v6;
	v4 =	vand.u32 $0x1, v4  }
0x161: {  	v1 =	vadd.s32 v4, v1;
	v4 =	vadd.s32 v6, v5;
	v5 =	vshrl.u32 v3, $0x10  }
0x162: {  	v10 =	vld [tilespmem:$0x1FFB0];
	v1 =	vadd.s32 $0x7FFF, v1;
	v4 =	vadd.s32 $0x7FFF, v4;
	v5 =	vand.u32 $0x1, v5  }
0x163: {  	v1 =	vand.u32 $0xFFFF0000, v1;
	v4 =	vand.u32 $0xFFFF0000, v4;
	v3 =	vadd.s32 v5, v3  }
0x164: {  	v3 =	vadd.s32 $0x7FFF, v3;
	v5 =	vmul.f32 v1, v34;
	v6 =	vmul.f32 v4, v38  }
0x165: {  	v3 =	vand.u32 $0xFFFF0000, v3  }
0x166: {  	v5 =	vadd.f32 v6, v5;
	v6 =	vmul.f32 v3, v28  }
0x167: {  	v11 =	vmov s26;
	v7 =	vmul.f32 v1, v35;
	v8 =	vmul.f32 v4, v10;
	v10 =	vpop (erf)  }
0x168: {  	v20 =	vmovc v21;
	v26 =	vld [tilespmem:$0x1FFC0];
	v5 =	vadd.f32 v6, v5;
	v6 =	vmul.f32 v10, v0;
	v10 =	vmul.u32 $0x3, v11  }
0x169: {  	v1 =	vmul.f32 v1, v20;
	v7 =	vadd.f32 v8, v7;
	v8 =	vor.u32 s26, v40  }
0x16a: {  	v4 =	vmul.f32 v4, v24;
	v2 =	vadd.f32 v6, v2;
	v6 =	vadd.s32 $0x1, v10  }
0x16b: {  	v11 =	vor.u32 v40, v10;
	v10 =	vadd.s32 $0x2, v10;
	v6 =	vand.u32 $0xFF, v6  }
0x16c: {  	v10 =	vand.u32 $0xFF, v10;
	v2 =	vmul.f32 $5.000000000e-01, v2;
	v6 =	vadd.s32 v40, v6  }
0x16d: {  	p0 =	sne.s32 s26, $0x12;
	vm15 =	vgt.f32 v0, $0.0e+00;
	v0 =	vmul.f32 v3, v26;
	v10 =	vadd.s32 v40, v10  }
.Ltmp2:
0x16e: {  	v1 =	vadd.f32 v4, v1;
	v3 =	vmul.f32 v3, v37;
	[tilespmem:v8+s20+$0x0] =	vst.idx.msk $0xffff, v48;
	v2 =	vnsel vm15, $0x0, v2;
	(pc) =	sbr.rel @p0 .LBB2_7-.Ltmp2, $4  }
0x16f: {  	v0 =	vadd.f32 v0, v7;
	[tilespmem:v8+s21+$0x0] =	vst.idx.msk $0xffff, v2  }
0x170: {  	v12 =	vmov v37;
	v1 =	vadd.f32 v3, v1;
	[tilespmem:v11+s22+$0x0] =	vst.idx.msk $0xffff, v5  }
0x171: {  	v21 =	vmovc v40;
	v25 =	vmovc v39;
	v18 =	vmov v34;
	v19 =	vmov v35;
	v7 =	vimm.s32 $0x0;
	v11 =	vld [tilespmem:$0x1FFF0];
	[tilespmem:v6+s22+$0x0] =	vst.idx.msk $0xffff, v0  }
0x172: {  	v17 =	vmovc v33;
	v23 =	vmovc v38;
	s26 =	sadd.s32 $0x1, s26;
	v3 =	vimm.s32 $0x4;
	v8 =	vimm.s32 $0xC;
	v6 =	vimm.s32 $0x8;
	[tilespmem:v10+s22+$0x0] =	vst.idx.msk $0xffff, v1;
	v10 =	vld [tilespmem:$0x1FFE0]  }
0x173: {  	s2 =	sshll.u32 s25, $0x4  }
0x174: {  	s25 =	sadd.s32 s7, s2  }
0x175: {  	[hbm4b:s25+s4] =	stream.linear.scatter [tilespmem:s20], [sflag:$0x1], $0x800, $0x38;
	[tilespmem:$0xB980] =	vst v63  }
0x176: {  	_ =	swait.ge [sflag:s13], $0x800  }
0x177: {  	[sflag:s13] =	ssyncset.done $0x0  }
0x178: {  	s31 =	sadd.s32 s9, s2;
	[sflag:s13] =	ssyncadd.s32 $0xFFFFF800  }
0x179: {  	[hbm4b:s31+s4] =	stream.linear.scatter [tilespmem:s21], [sflag:$0x1], $0x800, $0x38;
	[tilespmem:$0xB980] =	vst v63  }
0x17a: {  	s24 =	sadd.s32 $0x1, s24;
	_ =	swait.ge [sflag:s13], $0x800  }
0x17b: {  	p0 =	sne.s32 s24, $0x4;
	[sflag:s13] =	ssyncset.done $0x0  }
.Ltmp3:
0x17c: {  	s2 =	sadd.s32 s10, s2;
	[sflag:s13] =	ssyncadd.s32 $0xFFFFF800;
	(pc) =	sbr.rel @p0 .LBB2_2-.Ltmp3, $4  }
0x17d: {  	[hbm4b:s2+s4] =	stream.linear.scatter [tilespmem:s22], [sflag:$0x1], $0x800, $0x38;
	[tilespmem:$0xB980] =	vst v63  }
0x17e: {  	_ =	swait.ge [sflag:s13], $0x800  }
0x17f: {  	[sflag:s13] =	ssyncset.done $0x0  }
0x180: {  	[sflag:s13] =	ssyncadd.s32 $0xFFFFF800  }
0x181: {  	s23 =	sadd.s32 $0x1, s23  }
0x182: {  	p0 =	sne.s32 s23, s12  }
.Ltmp4:
0x183: {  	_ = 	snop;
	(pc) =	sbr.rel @p0 .LBB2_1-.Ltmp4, $1  }
0x184: {  	_ =	sdelay $0x3  }
0x185: {  	_ =	sfence.sel $0x180000  }
0x186: {  	[bflag:$0x0] =	sbarrier.arrive $0xFFFF  }
0x187: {  	_ =	strace $0x90000047  }
0x188: {  	[bflag:$0x2] =	sbarrier.arrive $0xFFFF  }
0x189: {  	p0 =	sne.s32 s8, $0x0;
	s0 =	rddreg [dreg:$0x4]  }
0x18a: {  	s0 =	sadd.s32 @!p0 $0x100000, s0  }
0x18b: {  	[sflag:s0] =	ssyncadd.tile.s32 @!p0 $0x1;
	_ =	shalt  }
.Lfunc_end2:
_tile_overlayer_lowered:
.L_overlay_start_2:
0x18c: {  	(tag) =	ssettag $0x2  }
0x18d: {  	s0 =	rddreg [dreg:$0x0];
	s2 =	stileid.u32  }
0x18e: {  	s1 =	rddreg [dreg:$0x1];
	p0 =	sne.s32 s2, $0x0  }
0x18f: {  	s3 =	rddreg [dreg:$0x2];
	[bflag:$0x3] =	sbarrier.arrive $0xFFFF;
	s2 =	simm.s32 @!p0 $0x1C01  }
0x190: {  	[timem:s3], [sflag:s2] =	dma.local @!p0 [hbm:s0], s1  }
0x191: {  	s0 =	simm.s32 @!p0 $0x1  }
0x192: {  	_ =	swait.ge @!p0 [sflag:s0], s1  }
0x193: {  	s1 =	ssub.s32 @!p0 $0x0, s1;
	[sflag:s0] =	ssyncset.done @!p0 $0x0  }
0x194: {  	[sflag:s0] =	ssyncadd.s32 @!p0 s1  }
0x195: {  	[bflag:$0x3] =	sbarrier.arrive $0xFFFF  }
0x196: {  	_ =	shalt  }

</sc_bundles>
